<compile_context>
chip_gen: v7x
topology: tpu7x:2x2x1
jax: 0.10.2.dev20260603
libtpu: 0.0.44.dev20260713+nightly
codegen_flags: <defaults>
</compile_context>

<pallas_src>
import functools

import jax
import jax.numpy as jnp
from jax import lax
from jax.experimental import pallas as pl
from jax.experimental.pallas import tpu as pltpu
from jax.experimental.pallas import tpu_sc as plsc

VOCAB = 1000000
EMB = 64
HID = 64
B = 4096
T = 200


_NC, _NS = 2, 16
_NW = _NC * _NS
_N_ROWS = B * T
_PER_W = _N_ROWS // _NW
_CH = 128
_NCHUNK = _PER_W // _CH


def _sc_gather(table, idx_2d):
    mesh = plsc.VectorSubcoreMesh(core_axis_name="c", subcore_axis_name="s")

    @functools.partial(
        pl.kernel,
        mesh=mesh,
        compiler_params=pltpu.CompilerParams(use_tc_tiling_on_sc=False),
        out_type=jax.ShapeDtypeStruct((_N_ROWS, EMB), jnp.float32),
        scratch_types=[
            pltpu.VMEM((_NCHUNK, _CH), jnp.int32),
            pltpu.VMEM((2, _CH, EMB), jnp.float32),
            pltpu.SemaphoreType.DMA,
            pltpu.SemaphoreType.DMA,
        ],
    )
    def k(table_hbm, idx_hbm, out_hbm, idx_v, rows_v, sem0, sem1):
        wid = lax.axis_index("s") * _NC + lax.axis_index("c")
        base = wid * _PER_W
        pltpu.sync_copy(idx_hbm.at[pl.ds(wid * _NCHUNK, _NCHUNK)], idx_v)
        sems = (sem0, sem1)

        def start(j, slot):
            pltpu.async_copy(table_hbm.at[idx_v.at[j]], rows_v.at[slot],
                             sems[slot])

        start(0, 0)
        start(1, 1)

        def pair(i, carry):
            for b in range(2):
                j = 2 * i + b
                pltpu.make_async_copy(table_hbm.at[idx_v.at[j]],
                                      rows_v.at[b], sems[b]).wait()
                pltpu.sync_copy(rows_v.at[b],
                                out_hbm.at[pl.ds(base + j * _CH, _CH)])

                @pl.when(j + 2 < _NCHUNK)
                def _start_next(b=b, j=j):
                    start(j + 2, b)
            return carry

        lax.fori_loop(0, _NCHUNK // 2, pair, 0)

    return k(table, idx_2d)




def _xpose_body(x_ref, out_ref):
    out_ref[...] = x_ref[...].T


def _transpose_x(x):
    return pl.pallas_call(
        _xpose_body,
        out_shape=jax.ShapeDtypeStruct((T, B), jnp.int32),
    )(x)




def _gru_math(x_t, h, wih, whh, bih, bhh):
    gi = lax.dot_general(x_t, wih, (((1,), (1,)), ((), ())),
                         preferred_element_type=jnp.float32) + bih
    gh = lax.dot_general(h, whh, (((1,), (1,)), ((), ())),
                         preferred_element_type=jnp.float32) + bhh
    r = jax.nn.sigmoid(gi[:, :HID] + gh[:, :HID])
    z = jax.nn.sigmoid(gi[:, HID:2 * HID] + gh[:, HID:2 * HID])
    n = jnp.tanh(gi[:, 2 * HID:] + r * gh[:, 2 * HID:])
    return (1.0 - z) * n + z * h


def _fwd_body(emb_ref, wih_ref, whh_ref, bih_ref, bhh_ref, out_ref, h_ref):
    t = pl.program_id(0)

    @pl.when(t == 0)
    def _():
        h_ref[...] = jnp.zeros((B, HID), jnp.float32)

    h_new = _gru_math(emb_ref[0], h_ref[...], wih_ref[...], whh_ref[...],
                      bih_ref[...], bhh_ref[...])
    h_ref[...] = h_new
    out_ref[0] = h_new


def _bwd_body(emb_ref, fwd_ref, wih_ref, whh_ref, bih_ref, bhh_ref,
              out_hbm, h_ref, cat_ref, sems):
    t = pl.program_id(0)
    tp = T - 1 - t
    slot = lax.rem(t, 2)

    @pl.when(t == 0)
    def _():
        h_ref[...] = jnp.zeros((B, HID), jnp.float32)

    @pl.when(t >= 2)
    def _():
        pltpu.make_async_copy(cat_ref.at[slot],
                              out_hbm.at[:, pl.ds(tp, 1), :],
                              sems.at[slot]).wait()

    h_new = _gru_math(emb_ref[0], h_ref[...], wih_ref[...], whh_ref[...],
                      bih_ref[...], bhh_ref[...])
    h_ref[...] = h_new
    cat_ref[slot, :, 0, :] = jnp.concatenate([fwd_ref[0], h_new], axis=-1)
    pltpu.make_async_copy(cat_ref.at[slot],
                          out_hbm.at[:, pl.ds(tp, 1), :],
                          sems.at[slot]).start()

    @pl.when(t == T - 1)
    def _():
        for s in range(2):
            pltpu.make_async_copy(cat_ref.at[s],
                                  out_hbm.at[:, pl.ds(tp, 1), :],
                                  sems.at[s]).wait()


def _w_specs():
    return [
        pl.BlockSpec((3 * HID, EMB), lambda t: (0, 0)),
        pl.BlockSpec((3 * HID, HID), lambda t: (0, 0)),
        pl.BlockSpec((1, 3 * HID), lambda t: (0, 0)),
        pl.BlockSpec((1, 3 * HID), lambda t: (0, 0)),
    ]


def _prep_w(W_ih, W_hh, b_ih, b_hh):
    return (W_ih, W_hh, b_ih[None, :], b_hh[None, :])


def _gru_forward(emb_tbe, *ws):
    return pl.pallas_call(
        _fwd_body,
        grid=(T,),
        in_specs=[pl.BlockSpec((1, B, EMB), lambda t: (t, 0, 0))] + _w_specs(),
        out_specs=pl.BlockSpec((1, B, HID), lambda t: (t, 0, 0)),
        out_shape=jax.ShapeDtypeStruct((T, B, HID), jnp.float32),
        scratch_shapes=[pltpu.VMEM((B, HID), jnp.float32)],
    )(emb_tbe, *ws)


def _gru_backward_combine(emb_tbe, out_f, *ws):
    rev = lambda t: (T - 1 - t, 0, 0)
    return pl.pallas_call(
        _bwd_body,
        grid=(T,),
        in_specs=[pl.BlockSpec((1, B, EMB), rev),
                  pl.BlockSpec((1, B, HID), rev)] + _w_specs(),
        out_specs=pl.BlockSpec(memory_space=pl.ANY),
        out_shape=jax.ShapeDtypeStruct((B, T, 2 * HID), jnp.float32),
        scratch_shapes=[pltpu.VMEM((B, HID), jnp.float32),
                        pltpu.VMEM((2, B, 1, 2 * HID), jnp.float32),
                        pltpu.SemaphoreType.DMA((2,))],
    )(emb_tbe, out_f, *ws)


def kernel(x, table, W_ih_f, W_hh_f, b_ih_f, b_hh_f,
           W_ih_b, W_hh_b, b_ih_b, b_hh_b):
    idx_2d = _transpose_x(x.astype(jnp.int32)).reshape(_NW * _NCHUNK, _CH)
    emb = _sc_gather(table, idx_2d).reshape(T, B, EMB)
    out_f = _gru_forward(emb, *_prep_w(W_ih_f, W_hh_f, b_ih_f, b_hh_f))
    return _gru_backward_combine(emb, out_f,
                                 *_prep_w(W_ih_b, W_hh_b, b_ih_b, b_hh_b))

# --- scband reference (transcript-rebuilt; emitter-appended) ---
"""Pipeline reference for scband-word-encoder-30992484008538 (READ-ONLY COPY).

The authoritative reference and input builder live on the scoring server;
editing this copy changes nothing except your own understanding.
"""

import jax, jax.numpy as jnp
import numpy as np

VOCAB = 1000000
EMB = 64
HID = 64
B = 4096
T = 200


def _gru_scan(x_seq, h0, W_ih, W_hh, b_ih, b_hh):
    # x_seq: [T, B, E]; h0: [B, H]
    def step(h, x_t):
        gi = x_t @ W_ih.T + b_ih
        gh = h @ W_hh.T + b_hh
        i_r, i_z, i_n = jnp.split(gi, 3, axis=-1)
        h_r, h_z, h_n = jnp.split(gh, 3, axis=-1)
        r = jax.nn.sigmoid(i_r + h_r)
        z = jax.nn.sigmoid(i_z + h_z)
        n = jnp.tanh(i_n + r * h_n)
        h_new = (1.0 - z) * n + z * h
        return h_new, h_new
    _, out = jax.lax.scan(step, h0, x_seq)
    return out  # [T, B, H]


def setup_inputs(seed: int = 0) -> dict:
    key = jax.random.key(seed)
    ks = jax.random.split(key, 10)
    x = jax.random.randint(ks[0], (B, T), 0, VOCAB, dtype=jnp.int64 if jax.config.jax_enable_x64 else jnp.int32)
    table = jax.random.normal(ks[1], (VOCAB, EMB), dtype=jnp.float32) * 0.1
    s_ih = 1.0 / np.sqrt(HID)
    W_ih_f = jax.random.uniform(ks[2], (3 * HID, EMB), minval=-s_ih, maxval=s_ih, dtype=jnp.float32)
    W_hh_f = jax.random.uniform(ks[3], (3 * HID, HID), minval=-s_ih, maxval=s_ih, dtype=jnp.float32)
    b_ih_f = jax.random.uniform(ks[4], (3 * HID,), minval=-s_ih, maxval=s_ih, dtype=jnp.float32)
    b_hh_f = jax.random.uniform(ks[5], (3 * HID,), minval=-s_ih, maxval=s_ih, dtype=jnp.float32)
    W_ih_b = jax.random.uniform(ks[6], (3 * HID, EMB), minval=-s_ih, maxval=s_ih, dtype=jnp.float32)
    W_hh_b = jax.random.uniform(ks[7], (3 * HID, HID), minval=-s_ih, maxval=s_ih, dtype=jnp.float32)
    b_ih_b = jax.random.uniform(ks[8], (3 * HID,), minval=-s_ih, maxval=s_ih, dtype=jnp.float32)
    b_hh_b = jax.random.uniform(ks[9], (3 * HID,), minval=-s_ih, maxval=s_ih, dtype=jnp.float32)
    return {"x": x, "table": table,
            "W_ih_f": W_ih_f, "W_hh_f": W_hh_f, "b_ih_f": b_ih_f, "b_hh_f": b_hh_f,
            "W_ih_b": W_ih_b, "W_hh_b": W_hh_b, "b_ih_b": b_ih_b, "b_hh_b": b_hh_b}


def reference(x, table, W_ih_f, W_hh_f, b_ih_f, b_hh_f, W_ih_b, W_hh_b, b_ih_b, b_hh_b):
    # WordEncoder.forward: embedding lookup + bidirectional GRU (batch_first)
    emb = jnp.take(table, x, axis=0)            # [B, T, E]  (SparseCore gather)
    xs = jnp.transpose(emb, (1, 0, 2))          # [T, B, E]
    h0 = jnp.zeros((xs.shape[1], HID), dtype=emb.dtype)
    out_f = _gru_scan(xs, h0, W_ih_f, W_hh_f, b_ih_f, b_hh_f)              # [T, B, H]
    out_b = _gru_scan(xs[::-1], h0, W_ih_b, W_hh_b, b_ih_b, b_hh_b)[::-1]  # [T, B, H]
    out = jnp.concatenate([out_f, out_b], axis=-1)  # [T, B, 2H]
    return jnp.transpose(out, (1, 0, 2))            # [B, T, 2H]

if __name__ == "__main__":
    import jax
    _d = setup_inputs()
    print(jax.jit(kernel)(*tuple(_d.values())))

</pallas_src>

<mosaic_0001>
#map = affine_map<(d0, d1) -> (0, 0)>
module attributes {stable_mosaic.version = 14 : i64} {
  func.func @k(%arg0: i32, %arg1: i32, %arg2: memref<1000000x64xf32, #tpu.memory_space<hbm>>, %arg3: memref<6400x128xi32, #tpu.memory_space<hbm>>, %arg4: memref<819200x64xf32, #tpu.memory_space<hbm>>, %arg5: memref<200x128xi32, #tpu.memory_space<vmem>>, %arg6: memref<2x128x64xf32, #tpu.memory_space<vmem>>, %arg7: memref<!tpu.dma_semaphore, #tpu.memory_space<semaphore_mem>>, %arg8: memref<!tpu.dma_semaphore, #tpu.memory_space<semaphore_mem>>) attributes {dimension_semantics = [#tpu.dimension_semantics<core_parallel>, #tpu.dimension_semantics<subcore_parallel>], iteration_bounds = array<i64: 2, 16>, scalar_prefetch = 0 : i64, scratch_operands = 4 : i64, tpu.core_type = #tpu.core_type<sc_vector_subcore>, window_params = [{transform_indices = #map}, {transform_indices = #map}, {transform_indices = #map}]} {
    %mul3A = arith.constant 2 : i32
    %mul3A_0 = arith.muli %arg1, %mul3A : i32
    %add3A = arith.addi %mul3A_0, %arg0 : i32
    %mul3A_1 = arith.constant 25600 : i32
    %mul3A_2 = arith.muli %add3A, %mul3A_1 : i32
    %mul3A_3 = arith.constant 200 : i32
    %mul3A_4 = arith.muli %add3A, %mul3A_3 : i32
    "tpu.region"() ({
      %run_scoped3A = tpu.sem_alloc : memref<!tpu.dma_semaphore, #tpu.memory_space<semaphore_mem>>
      %dma_start3A_33 = arith.constant 0 : i32
      %dma_start3A_34 = tpu.memref_slice %arg3[%mul3A_4, %dma_start3A_33] : memref<6400x128xi32, #tpu.memory_space<hbm>> -> memref<200x128xi32, #tpu.memory_space<hbm>>
      %dma_start3A_35 = arith.constant 0 : i32
      %dma_start3A_36 = tpu.memref_slice %arg3[%mul3A_4, %dma_start3A_35] : memref<6400x128xi32, #tpu.memory_space<hbm>> -> memref<200x128xi32, #tpu.memory_space<hbm>>
      tpu.enqueue_dma source(%dma_start3A_36 : memref<200x128xi32, #tpu.memory_space<hbm>>) target(%arg5 : memref<200x128xi32, #tpu.memory_space<vmem>>) target_semaphore(%run_scoped3A : memref<!tpu.dma_semaphore, #tpu.memory_space<semaphore_mem>>)
      %dma_wait3A = arith.constant 0 : i32
      %dma_wait3A_37 = tpu.memref_slice %arg3[%mul3A_4, %dma_wait3A] : memref<6400x128xi32, #tpu.memory_space<hbm>> -> memref<200x128xi32, #tpu.memory_space<hbm>>
      %dma_wait3A_38 = arith.constant 0 : i32
      %dma_wait3A_39 = tpu.memref_slice %arg3[%mul3A_4, %dma_wait3A_38] : memref<6400x128xi32, #tpu.memory_space<hbm>> -> memref<200x128xi32, #tpu.memory_space<hbm>>
      tpu.wait_dma2 semaphore(%run_scoped3A : memref<!tpu.dma_semaphore, #tpu.memory_space<semaphore_mem>>) src(%dma_wait3A_39 : memref<200x128xi32, #tpu.memory_space<hbm>>) dst(%arg5 : memref<200x128xi32, #tpu.memory_space<vmem>>)
      tpu.yield
    }) : () -> ()
    %dma_start3A = arith.constant 0 : i32
    %dma_start3A_5 = arith.constant 0 : i32
    %dma_start3A_6 = arith.constant 0 : i32
    %dma_start3A_7 = arith.constant 0 : i32
    %dma_start3A_8 = tpu.memref_slice %arg6[%dma_start3A_5, %dma_start3A_6, %dma_start3A_7] : memref<2x128x64xf32, #tpu.memory_space<vmem>> -> memref<1x128x64xf32, #tpu.memory_space<vmem>>
    %dma_start3A_9 = tpu.memref_squeeze %dma_start3A_8 : memref<1x128x64xf32, #tpu.memory_space<vmem>> -> memref<128x64xf32, #tpu.memory_space<vmem>>
    %dma_start3A_10 = arith.constant 0 : i32
    %dma_start3A_11 = tpu.memref_slice %arg5[%dma_start3A, %dma_start3A_10] : memref<200x128xi32, #tpu.memory_space<vmem>> -> memref<1x128xi32, #tpu.memory_space<vmem>>
    %dma_start3A_12 = tpu.memref_squeeze %dma_start3A_11 : memref<1x128xi32, #tpu.memory_space<vmem>> -> memref<128xi32, #tpu.memory_space<vmem>>
    %dma_start3A_13 = arith.constant 0 : i32
    %dma_start3A_14 = arith.constant 0 : i32
    %dma_start3A_15 = tpu.memref_slice %arg2[%dma_start3A_13, %dma_start3A_14] : memref<1000000x64xf32, #tpu.memory_space<hbm>> -> memref<1000000x64xf32, #tpu.memory_space<hbm>>
    tpu.enqueue_indirect_dma source(%dma_start3A_15 : memref<1000000x64xf32, #tpu.memory_space<hbm>>) target(%dma_start3A_9 : memref<128x64xf32, #tpu.memory_space<vmem>>) offsets(%dma_start3A_12 : memref<128xi32, #tpu.memory_space<vmem>>) semaphore(%arg7 : memref<!tpu.dma_semaphore, #tpu.memory_space<semaphore_mem>>)
    %dma_start3A_16 = arith.constant 1 : i32
    %dma_start3A_17 = arith.constant 1 : i32
    %dma_start3A_18 = arith.constant 0 : i32
    %dma_start3A_19 = arith.constant 0 : i32
    %dma_start3A_20 = tpu.memref_slice %arg6[%dma_start3A_17, %dma_start3A_18, %dma_start3A_19] : memref<2x128x64xf32, #tpu.memory_space<vmem>> -> memref<1x128x64xf32, #tpu.memory_space<vmem>>
    %dma_start3A_21 = tpu.memref_squeeze %dma_start3A_20 : memref<1x128x64xf32, #tpu.memory_space<vmem>> -> memref<128x64xf32, #tpu.memory_space<vmem>>
    %dma_start3A_22 = arith.constant 0 : i32
    %dma_start3A_23 = tpu.memref_slice %arg5[%dma_start3A_16, %dma_start3A_22] : memref<200x128xi32, #tpu.memory_space<vmem>> -> memref<1x128xi32, #tpu.memory_space<vmem>>
    %dma_start3A_24 = tpu.memref_squeeze %dma_start3A_23 : memref<1x128xi32, #tpu.memory_space<vmem>> -> memref<128xi32, #tpu.memory_space<vmem>>
    %dma_start3A_25 = arith.constant 0 : i32
    %dma_start3A_26 = arith.constant 0 : i32
    %dma_start3A_27 = tpu.memref_slice %arg2[%dma_start3A_25, %dma_start3A_26] : memref<1000000x64xf32, #tpu.memory_space<hbm>> -> memref<1000000x64xf32, #tpu.memory_space<hbm>>
    tpu.enqueue_indirect_dma source(%dma_start3A_27 : memref<1000000x64xf32, #tpu.memory_space<hbm>>) target(%dma_start3A_21 : memref<128x64xf32, #tpu.memory_space<vmem>>) offsets(%dma_start3A_24 : memref<128xi32, #tpu.memory_space<vmem>>) semaphore(%arg8 : memref<!tpu.dma_semaphore, #tpu.memory_space<semaphore_mem>>)
    %scan3A = arith.constant 0 : i32
    %scan3A_28 = arith.constant 0 : i32
    %scan3A_29 = arith.constant 100 : i32
    %scan3A_30 = arith.addi %scan3A_28, %scan3A_29 : i32
    %scan3A_31 = arith.constant 1 : i32
    scf.for %scan3A_33 = %scan3A_28 to %scan3A_30 step %scan3A_31  : i32 {
      %mul3A_34 = arith.constant 2 : i32
      %mul3A_35 = arith.muli %mul3A_34, %scan3A_33 : i32
      %add3A_36 = arith.constant 0 : i32
      %add3A_37 = arith.addi %mul3A_35, %add3A_36 : i32
      %dma_wait3A = arith.constant 0 : i32
      %dma_wait3A_38 = arith.constant 0 : i32
      %dma_wait3A_39 = arith.constant 0 : i32
      %dma_wait3A_40 = tpu.memref_slice %arg6[%dma_wait3A, %dma_wait3A_38, %dma_wait3A_39] : memref<2x128x64xf32, #tpu.memory_space<vmem>> -> memref<1x128x64xf32, #tpu.memory_space<vmem>>
      %dma_wait3A_41 = tpu.memref_squeeze %dma_wait3A_40 : memref<1x128x64xf32, #tpu.memory_space<vmem>> -> memref<128x64xf32, #tpu.memory_space<vmem>>
      %dma_wait3A_42 = arith.constant 0 : i32
      %dma_wait3A_43 = tpu.memref_slice %arg5[%add3A_37, %dma_wait3A_42] : memref<200x128xi32, #tpu.memory_space<vmem>> -> memref<1x128xi32, #tpu.memory_space<vmem>>
      %dma_wait3A_44 = tpu.memref_squeeze %dma_wait3A_43 : memref<1x128xi32, #tpu.memory_space<vmem>> -> memref<128xi32, #tpu.memory_space<vmem>>
      %dma_wait3A_45 = arith.constant 0 : i32
      %dma_wait3A_46 = arith.constant 0 : i32
      %dma_wait3A_47 = tpu.memref_slice %arg2[%dma_wait3A_45, %dma_wait3A_46] : memref<1000000x64xf32, #tpu.memory_space<hbm>> -> memref<1000000x64xf32, #tpu.memory_space<hbm>>
      tpu.wait_indirect_dma semaphore(%arg7 : memref<!tpu.dma_semaphore, #tpu.memory_space<semaphore_mem>>) src(%dma_wait3A_47 : memref<1000000x64xf32, #tpu.memory_space<hbm>>) dst(%dma_wait3A_41 : memref<128x64xf32, #tpu.memory_space<vmem>>)
      %mul3A_48 = arith.constant 128 : i32
      %mul3A_49 = arith.muli %add3A_37, %mul3A_48 : i32
      %add3A_50 = arith.addi %mul3A_2, %mul3A_49 : i32
      %run_scoped3A = arith.constant 0 : i32
      "tpu.region"() ({
        %run_scoped3A_81 = tpu.sem_alloc : memref<!tpu.dma_semaphore, #tpu.memory_space<semaphore_mem>>
        %dma_start3A_82 = arith.constant 0 : i32
        %dma_start3A_83 = arith.constant 0 : i32
        %dma_start3A_84 = tpu.memref_slice %arg6[%run_scoped3A, %dma_start3A_82, %dma_start3A_83] : memref<2x128x64xf32, #tpu.memory_space<vmem>> -> memref<1x128x64xf32, #tpu.memory_space<vmem>>
        %dma_start3A_85 = tpu.memref_squeeze %dma_start3A_84 : memref<1x128x64xf32, #tpu.memory_space<vmem>> -> memref<128x64xf32, #tpu.memory_space<vmem>>
        %dma_start3A_86 = arith.constant 0 : i32
        %dma_start3A_87 = tpu.memref_slice %arg4[%add3A_50, %dma_start3A_86] : memref<819200x64xf32, #tpu.memory_space<hbm>> -> memref<128x64xf32, #tpu.memory_space<hbm>>
        %dma_start3A_88 = arith.constant 0 : i32
        %dma_start3A_89 = tpu.memref_slice %arg4[%add3A_50, %dma_start3A_88] : memref<819200x64xf32, #tpu.memory_space<hbm>> -> memref<128x64xf32, #tpu.memory_space<hbm>>
        %dma_start3A_90 = arith.constant 0 : i32
        %dma_start3A_91 = arith.constant 0 : i32
        %dma_start3A_92 = tpu.memref_slice %arg6[%run_scoped3A, %dma_start3A_90, %dma_start3A_91] : memref<2x128x64xf32, #tpu.memory_space<vmem>> -> memref<1x128x64xf32, #tpu.memory_space<vmem>>
        %dma_start3A_93 = tpu.memref_squeeze %dma_start3A_92 : memref<1x128x64xf32, #tpu.memory_space<vmem>> -> memref<128x64xf32, #tpu.memory_space<vmem>>
        tpu.enqueue_dma source(%dma_start3A_93 : memref<128x64xf32, #tpu.memory_space<vmem>>) target(%dma_start3A_89 : memref<128x64xf32, #tpu.memory_space<hbm>>) target_semaphore(%run_scoped3A_81 : memref<!tpu.dma_semaphore, #tpu.memory_space<semaphore_mem>>)
        %dma_wait3A_94 = arith.constant 0 : i32
        %dma_wait3A_95 = arith.constant 0 : i32
        %dma_wait3A_96 = tpu.memref_slice %arg6[%run_scoped3A, %dma_wait3A_94, %dma_wait3A_95] : memref<2x128x64xf32, #tpu.memory_space<vmem>> -> memref<1x128x64xf32, #tpu.memory_space<vmem>>
        %dma_wait3A_97 = tpu.memref_squeeze %dma_wait3A_96 : memref<1x128x64xf32, #tpu.memory_space<vmem>> -> memref<128x64xf32, #tpu.memory_space<vmem>>
        %dma_wait3A_98 = arith.constant 0 : i32
        %dma_wait3A_99 = tpu.memref_slice %arg4[%add3A_50, %dma_wait3A_98] : memref<819200x64xf32, #tpu.memory_space<hbm>> -> memref<128x64xf32, #tpu.memory_space<hbm>>
        %dma_wait3A_100 = arith.constant 0 : i32
        %dma_wait3A_101 = tpu.memref_slice %arg4[%add3A_50, %dma_wait3A_100] : memref<819200x64xf32, #tpu.memory_space<hbm>> -> memref<128x64xf32, #tpu.memory_space<hbm>>
        %dma_wait3A_102 = arith.constant 0 : i32
        %dma_wait3A_103 = arith.constant 0 : i32
        %dma_wait3A_104 = tpu.memref_slice %arg6[%run_scoped3A, %dma_wait3A_102, %dma_wait3A_103] : memref<2x128x64xf32, #tpu.memory_space<vmem>> -> memref<1x128x64xf32, #tpu.memory_space<vmem>>
        %dma_wait3A_105 = tpu.memref_squeeze %dma_wait3A_104 : memref<1x128x64xf32, #tpu.memory_space<vmem>> -> memref<128x64xf32, #tpu.memory_space<vmem>>
        tpu.wait_dma2 semaphore(%run_scoped3A_81 : memref<!tpu.dma_semaphore, #tpu.memory_space<semaphore_mem>>) src(%dma_wait3A_105 : memref<128x64xf32, #tpu.memory_space<vmem>>) dst(%dma_wait3A_101 : memref<128x64xf32, #tpu.memory_space<hbm>>)
        tpu.yield
      }) : () -> ()
      %add3A_51 = arith.constant 2 : i32
      %add3A_52 = arith.addi %add3A_37, %add3A_51 : i32
      %lt3A = arith.constant 200 : i32
      %lt3A_53 = arith.cmpi slt, %add3A_52, %lt3A : i32
      %convert_element_type3A = arith.extui %lt3A_53 : i1 to i32
      %cond3A = arith.constant 0 : i32
      %cond3A_54 = arith.cmpi ne, %convert_element_type3A, %cond3A : i32
      scf.if %cond3A_54 {
        %add3A_81 = arith.constant 2 : i32
        %add3A_82 = arith.addi %add3A_37, %add3A_81 : i32
        %dma_start3A_83 = arith.constant 0 : i32
        %dma_start3A_84 = arith.constant 0 : i32
        %dma_start3A_85 = arith.constant 0 : i32
        %dma_start3A_86 = tpu.memref_slice %arg6[%dma_start3A_83, %dma_start3A_84, %dma_start3A_85] : memref<2x128x64xf32, #tpu.memory_space<vmem>> -> memref<1x128x64xf32, #tpu.memory_space<vmem>>
        %dma_start3A_87 = tpu.memref_squeeze %dma_start3A_86 : memref<1x128x64xf32, #tpu.memory_space<vmem>> -> memref<128x64xf32, #tpu.memory_space<vmem>>
        %dma_start3A_88 = arith.constant 0 : i32
        %dma_start3A_89 = tpu.memref_slice %arg5[%add3A_82, %dma_start3A_88] : memref<200x128xi32, #tpu.memory_space<vmem>> -> memref<1x128xi32, #tpu.memory_space<vmem>>
        %dma_start3A_90 = tpu.memref_squeeze %dma_start3A_89 : memref<1x128xi32, #tpu.memory_space<vmem>> -> memref<128xi32, #tpu.memory_space<vmem>>
        %dma_start3A_91 = arith.constant 0 : i32
        %dma_start3A_92 = arith.constant 0 : i32
        %dma_start3A_93 = tpu.memref_slice %arg2[%dma_start3A_91, %dma_start3A_92] : memref<1000000x64xf32, #tpu.memory_space<hbm>> -> memref<1000000x64xf32, #tpu.memory_space<hbm>>
        tpu.enqueue_indirect_dma source(%dma_start3A_93 : memref<1000000x64xf32, #tpu.memory_space<hbm>>) target(%dma_start3A_87 : memref<128x64xf32, #tpu.memory_space<vmem>>) offsets(%dma_start3A_90 : memref<128xi32, #tpu.memory_space<vmem>>) semaphore(%arg7 : memref<!tpu.dma_semaphore, #tpu.memory_space<semaphore_mem>>)
      } else {
      }
      %mul3A_55 = arith.constant 2 : i32
      %mul3A_56 = arith.muli %mul3A_55, %scan3A_33 : i32
      %add3A_57 = arith.constant 1 : i32
      %add3A_58 = arith.addi %mul3A_56, %add3A_57 : i32
      %dma_wait3A_59 = arith.constant 1 : i32
      %dma_wait3A_60 = arith.constant 0 : i32
      %dma_wait3A_61 = arith.constant 0 : i32
      %dma_wait3A_62 = tpu.memref_slice %arg6[%dma_wait3A_59, %dma_wait3A_60, %dma_wait3A_61] : memref<2x128x64xf32, #tpu.memory_space<vmem>> -> memref<1x128x64xf32, #tpu.memory_space<vmem>>
      %dma_wait3A_63 = tpu.memref_squeeze %dma_wait3A_62 : memref<1x128x64xf32, #tpu.memory_space<vmem>> -> memref<128x64xf32, #tpu.memory_space<vmem>>
      %dma_wait3A_64 = arith.constant 0 : i32
      %dma_wait3A_65 = tpu.memref_slice %arg5[%add3A_58, %dma_wait3A_64] : memref<200x128xi32, #tpu.memory_space<vmem>> -> memref<1x128xi32, #tpu.memory_space<vmem>>
      %dma_wait3A_66 = tpu.memref_squeeze %dma_wait3A_65 : memref<1x128xi32, #tpu.memory_space<vmem>> -> memref<128xi32, #tpu.memory_space<vmem>>
      %dma_wait3A_67 = arith.constant 0 : i32
      %dma_wait3A_68 = arith.constant 0 : i32
      %dma_wait3A_69 = tpu.memref_slice %arg2[%dma_wait3A_67, %dma_wait3A_68] : memref<1000000x64xf32, #tpu.memory_space<hbm>> -> memref<1000000x64xf32, #tpu.memory_space<hbm>>
      tpu.wait_indirect_dma semaphore(%arg8 : memref<!tpu.dma_semaphore, #tpu.memory_space<semaphore_mem>>) src(%dma_wait3A_69 : memref<1000000x64xf32, #tpu.memory_space<hbm>>) dst(%dma_wait3A_63 : memref<128x64xf32, #tpu.memory_space<vmem>>)
      %mul3A_70 = arith.constant 128 : i32
      %mul3A_71 = arith.muli %add3A_58, %mul3A_70 : i32
      %add3A_72 = arith.addi %mul3A_2, %mul3A_71 : i32
      %run_scoped3A_73 = arith.constant 1 : i32
      "tpu.region"() ({
        %run_scoped3A_81 = tpu.sem_alloc : memref<!tpu.dma_semaphore, #tpu.memory_space<semaphore_mem>>
        %dma_start3A_82 = arith.constant 0 : i32
        %dma_start3A_83 = arith.constant 0 : i32
        %dma_start3A_84 = tpu.memref_slice %arg6[%run_scoped3A_73, %dma_start3A_82, %dma_start3A_83] : memref<2x128x64xf32, #tpu.memory_space<vmem>> -> memref<1x128x64xf32, #tpu.memory_space<vmem>>
        %dma_start3A_85 = tpu.memref_squeeze %dma_start3A_84 : memref<1x128x64xf32, #tpu.memory_space<vmem>> -> memref<128x64xf32, #tpu.memory_space<vmem>>
        %dma_start3A_86 = arith.constant 0 : i32
        %dma_start3A_87 = tpu.memref_slice %arg4[%add3A_72, %dma_start3A_86] : memref<819200x64xf32, #tpu.memory_space<hbm>> -> memref<128x64xf32, #tpu.memory_space<hbm>>
        %dma_start3A_88 = arith.constant 0 : i32
        %dma_start3A_89 = tpu.memref_slice %arg4[%add3A_72, %dma_start3A_88] : memref<819200x64xf32, #tpu.memory_space<hbm>> -> memref<128x64xf32, #tpu.memory_space<hbm>>
        %dma_start3A_90 = arith.constant 0 : i32
        %dma_start3A_91 = arith.constant 0 : i32
        %dma_start3A_92 = tpu.memref_slice %arg6[%run_scoped3A_73, %dma_start3A_90, %dma_start3A_91] : memref<2x128x64xf32, #tpu.memory_space<vmem>> -> memref<1x128x64xf32, #tpu.memory_space<vmem>>
        %dma_start3A_93 = tpu.memref_squeeze %dma_start3A_92 : memref<1x128x64xf32, #tpu.memory_space<vmem>> -> memref<128x64xf32, #tpu.memory_space<vmem>>
        tpu.enqueue_dma source(%dma_start3A_93 : memref<128x64xf32, #tpu.memory_space<vmem>>) target(%dma_start3A_89 : memref<128x64xf32, #tpu.memory_space<hbm>>) target_semaphore(%run_scoped3A_81 : memref<!tpu.dma_semaphore, #tpu.memory_space<semaphore_mem>>)
        %dma_wait3A_94 = arith.constant 0 : i32
        %dma_wait3A_95 = arith.constant 0 : i32
        %dma_wait3A_96 = tpu.memref_slice %arg6[%run_scoped3A_73, %dma_wait3A_94, %dma_wait3A_95] : memref<2x128x64xf32, #tpu.memory_space<vmem>> -> memref<1x128x64xf32, #tpu.memory_space<vmem>>
        %dma_wait3A_97 = tpu.memref_squeeze %dma_wait3A_96 : memref<1x128x64xf32, #tpu.memory_space<vmem>> -> memref<128x64xf32, #tpu.memory_space<vmem>>
        %dma_wait3A_98 = arith.constant 0 : i32
        %dma_wait3A_99 = tpu.memref_slice %arg4[%add3A_72, %dma_wait3A_98] : memref<819200x64xf32, #tpu.memory_space<hbm>> -> memref<128x64xf32, #tpu.memory_space<hbm>>
        %dma_wait3A_100 = arith.constant 0 : i32
        %dma_wait3A_101 = tpu.memref_slice %arg4[%add3A_72, %dma_wait3A_100] : memref<819200x64xf32, #tpu.memory_space<hbm>> -> memref<128x64xf32, #tpu.memory_space<hbm>>
        %dma_wait3A_102 = arith.constant 0 : i32
        %dma_wait3A_103 = arith.constant 0 : i32
        %dma_wait3A_104 = tpu.memref_slice %arg6[%run_scoped3A_73, %dma_wait3A_102, %dma_wait3A_103] : memref<2x128x64xf32, #tpu.memory_space<vmem>> -> memref<1x128x64xf32, #tpu.memory_space<vmem>>
        %dma_wait3A_105 = tpu.memref_squeeze %dma_wait3A_104 : memref<1x128x64xf32, #tpu.memory_space<vmem>> -> memref<128x64xf32, #tpu.memory_space<vmem>>
        tpu.wait_dma2 semaphore(%run_scoped3A_81 : memref<!tpu.dma_semaphore, #tpu.memory_space<semaphore_mem>>) src(%dma_wait3A_105 : memref<128x64xf32, #tpu.memory_space<vmem>>) dst(%dma_wait3A_101 : memref<128x64xf32, #tpu.memory_space<hbm>>)
        tpu.yield
      }) : () -> ()
      %add3A_74 = arith.constant 2 : i32
      %add3A_75 = arith.addi %add3A_58, %add3A_74 : i32
      %lt3A_76 = arith.constant 200 : i32
      %lt3A_77 = arith.cmpi slt, %add3A_75, %lt3A_76 : i32
      %convert_element_type3A_78 = arith.extui %lt3A_77 : i1 to i32
      %cond3A_79 = arith.constant 0 : i32
      %cond3A_80 = arith.cmpi ne, %convert_element_type3A_78, %cond3A_79 : i32
      scf.if %cond3A_80 {
        %add3A_81 = arith.constant 2 : i32
        %add3A_82 = arith.addi %add3A_58, %add3A_81 : i32
        %dma_start3A_83 = arith.constant 1 : i32
        %dma_start3A_84 = arith.constant 0 : i32
        %dma_start3A_85 = arith.constant 0 : i32
        %dma_start3A_86 = tpu.memref_slice %arg6[%dma_start3A_83, %dma_start3A_84, %dma_start3A_85] : memref<2x128x64xf32, #tpu.memory_space<vmem>> -> memref<1x128x64xf32, #tpu.memory_space<vmem>>
        %dma_start3A_87 = tpu.memref_squeeze %dma_start3A_86 : memref<1x128x64xf32, #tpu.memory_space<vmem>> -> memref<128x64xf32, #tpu.memory_space<vmem>>
        %dma_start3A_88 = arith.constant 0 : i32
        %dma_start3A_89 = tpu.memref_slice %arg5[%add3A_82, %dma_start3A_88] : memref<200x128xi32, #tpu.memory_space<vmem>> -> memref<1x128xi32, #tpu.memory_space<vmem>>
        %dma_start3A_90 = tpu.memref_squeeze %dma_start3A_89 : memref<1x128xi32, #tpu.memory_space<vmem>> -> memref<128xi32, #tpu.memory_space<vmem>>
        %dma_start3A_91 = arith.constant 0 : i32
        %dma_start3A_92 = arith.constant 0 : i32
        %dma_start3A_93 = tpu.memref_slice %arg2[%dma_start3A_91, %dma_start3A_92] : memref<1000000x64xf32, #tpu.memory_space<hbm>> -> memref<1000000x64xf32, #tpu.memory_space<hbm>>
        tpu.enqueue_indirect_dma source(%dma_start3A_93 : memref<1000000x64xf32, #tpu.memory_space<hbm>>) target(%dma_start3A_87 : memref<128x64xf32, #tpu.memory_space<vmem>>) offsets(%dma_start3A_90 : memref<128xi32, #tpu.memory_space<vmem>>) semaphore(%arg8 : memref<!tpu.dma_semaphore, #tpu.memory_space<semaphore_mem>>)
      } else {
      }
    }
    %scan3A_32 = arith.constant 100 : i32
    return
  }
}

module attributes {stable_mosaic.version = 14 : i64} {
  func.func @_xpose_body(%arg0: memref<4096x200xi32, #tpu.memory_space<vmem>>, %arg1: memref<200x4096xi32, #tpu.memory_space<vmem>>) attributes {dimension_semantics = [], scalar_prefetch = 0 : i64, scratch_operands = 0 : i64, tpu.core_type = #tpu.core_type<tc>} {
    %get3A = arith.constant 0 : index
    %get3A_0 = arith.constant 0 : index
    %get3A_1 = vector.load %arg0[%get3A, %get3A_0] : memref<4096x200xi32, #tpu.memory_space<vmem>>, vector<4096x200xi32>
    %transpose3A = tpu.transpose %get3A_1, [1, 0] : vector<4096x200xi32> -> vector<200x4096xi32>
    %swap3A = arith.constant 0 : index
    %swap3A_2 = arith.constant 0 : index
    %swap3A_3 = vector.load %arg1[%swap3A, %swap3A_2] : memref<200x4096xi32, #tpu.memory_space<vmem>>, vector<200x4096xi32>
    tpu.vector_store %arg1[%swap3A, %swap3A_2], %transpose3A {strides = array<i32>} : memref<200x4096xi32, #tpu.memory_space<vmem>>, vector<200x4096xi32>,
    return
  }
}

module attributes {stable_mosaic.version = 14 : i64} {
  func.func @_fwd_body(%arg0: i32, %arg1: memref<1x4096x64xf32, #tpu.memory_space<vmem>>, %arg2: memref<192x64xf32, #tpu.memory_space<vmem>>, %arg3: memref<192x64xf32, #tpu.memory_space<vmem>>, %arg4: memref<1x192xf32, #tpu.memory_space<vmem>>, %arg5: memref<1x192xf32, #tpu.memory_space<vmem>>, %arg6: memref<1x4096x64xf32, #tpu.memory_space<vmem>>, %arg7: memref<4096x64xf32, #tpu.memory_space<vmem>>) attributes {dimension_semantics = [#tpu.dimension_semantics<arbitrary>], iteration_bounds = array<i64: 200>, scalar_prefetch = 0 : i64, scratch_operands = 1 : i64, tpu.core_type = #tpu.core_type<tc>, window_params = [{transform_indices = @transform_0, window_bounds = array<i64: 1, 4096, 64>}, {pipeline_mode = #tpu.pipeline_mode<synchronous>, transform_indices = @transform_1, window_bounds = array<i64: 192, 64>}, {pipeline_mode = #tpu.pipeline_mode<synchronous>, transform_indices = @transform_2, window_bounds = array<i64: 192, 64>}, {pipeline_mode = #tpu.pipeline_mode<synchronous>, transform_indices = @transform_3, window_bounds = array<i64: 1, 192>}, {pipeline_mode = #tpu.pipeline_mode<synchronous>, transform_indices = @transform_4, window_bounds = array<i64: 1, 192>}, {transform_indices = @transform_5, window_bounds = array<i64: 1, 4096, 64>}]} {
    %eq3A = arith.constant 0 : i32
    %eq3A_0 = arith.cmpi eq, %arg0, %eq3A : i32
    %convert_element_type3A = arith.extui %eq3A_0 : i1 to i32
    %cond3A = arith.constant 0 : i32
    %cond3A_1 = arith.cmpi ne, %convert_element_type3A, %cond3A : i32
    scf.if %cond3A_1 {
      %broadcast_in_dim3A = arith.constant 0.000000e+00 : f32
      %broadcast_in_dim3A_59 = vector.broadcast %broadcast_in_dim3A : f32 to vector<4096x64xf32>
      %swap3A_60 = arith.constant 0 : index
      %swap3A_61 = arith.constant 0 : index
      %swap3A_62 = vector.load %arg7[%swap3A_60, %swap3A_61] : memref<4096x64xf32, #tpu.memory_space<vmem>>, vector<4096x64xf32>
      tpu.vector_store %arg7[%swap3A_60, %swap3A_61], %broadcast_in_dim3A_59 {strides = array<i32>} : memref<4096x64xf32, #tpu.memory_space<vmem>>, vector<4096x64xf32>,
    } else {
    }
    %get3A = arith.constant 0 : index
    %get3A_2 = arith.constant 0 : index
    %get3A_3 = arith.constant 0 : index
    %get3A_4 = vector.load %arg1[%get3A, %get3A_2, %get3A_3] : memref<1x4096x64xf32, #tpu.memory_space<vmem>>, vector<1x4096x64xf32>
    %get3A_5 = vector.shape_cast %get3A_4 : vector<1x4096x64xf32> to vector<4096x64xf32>
    %get3A_6 = arith.constant 0 : index
    %get3A_7 = arith.constant 0 : index
    %get3A_8 = vector.load %arg7[%get3A_6, %get3A_7] : memref<4096x64xf32, #tpu.memory_space<vmem>>, vector<4096x64xf32>
    %get3A_9 = arith.constant 0 : index
    %get3A_10 = arith.constant 0 : index
    %get3A_11 = vector.load %arg2[%get3A_9, %get3A_10] : memref<192x64xf32, #tpu.memory_space<vmem>>, vector<192x64xf32>
    %get3A_12 = arith.constant 0 : index
    %get3A_13 = arith.constant 0 : index
    %get3A_14 = vector.load %arg3[%get3A_12, %get3A_13] : memref<192x64xf32, #tpu.memory_space<vmem>>, vector<192x64xf32>
    %get3A_15 = arith.constant 0 : index
    %get3A_16 = arith.constant 0 : index
    %get3A_17 = vector.load %arg4[%get3A_15, %get3A_16] : memref<1x192xf32, #tpu.memory_space<vmem>>, vector<1x192xf32>
    %get3A_18 = arith.constant 0 : index
    %get3A_19 = arith.constant 0 : index
    %get3A_20 = vector.load %arg5[%get3A_18, %get3A_19] : memref<1x192xf32, #tpu.memory_space<vmem>>, vector<1x192xf32>
    %dot_general3A = arith.constant dense<0.000000e+00> : vector<4096x192xf32>
    %dot_general3A_21 = tpu.matmul %get3A_5, %get3A_11, %dot_general3A {dimension_numbers = #tpu.dot_dimension_numbers<[1], [1], [0], [0], [0, 0, 1, 0], [], []>, transpose_lhs_hint = false} : vector<4096x64xf32>, vector<192x64xf32>, vector<4096x192xf32> -> vector<4096x192xf32>
    %add3A = vector.broadcast %get3A_17 : vector<1x192xf32> to vector<4096x192xf32>
    %add3A_22 = arith.addf %dot_general3A_21, %add3A : vector<4096x192xf32>
    %dot_general3A_23 = arith.constant dense<0.000000e+00> : vector<4096x192xf32>
    %dot_general3A_24 = tpu.matmul %get3A_8, %get3A_14, %dot_general3A_23 {dimension_numbers = #tpu.dot_dimension_numbers<[1], [1], [0], [0], [0, 0, 1, 0], [], []>, transpose_lhs_hint = false} : vector<4096x64xf32>, vector<192x64xf32>, vector<4096x192xf32> -> vector<4096x192xf32>
    %add3A_25 = vector.broadcast %get3A_20 : vector<1x192xf32> to vector<4096x192xf32>
    %add3A_26 = arith.addf %dot_general3A_24, %add3A_25 : vector<4096x192xf32>
    %slice3A = vector.extract_strided_slice %add3A_22 {offsets = [0, 0], sizes = [4096, 64], strides = [1, 1]} : vector<4096x192xf32> to vector<4096x64xf32>
    %slice3A_27 = vector.extract_strided_slice %add3A_26 {offsets = [0, 0], sizes = [4096, 64], strides = [1, 1]} : vector<4096x192xf32> to vector<4096x64xf32>
    %add3A_28 = arith.addf %slice3A, %slice3A_27 : vector<4096x64xf32>
    %logistic3A = arith.negf %add3A_28 : vector<4096x64xf32>
    %logistic3A_29 = math.exp %logistic3A : vector<4096x64xf32>
    %logistic3A_30 = arith.constant 1.000000e+00 : f32
    %logistic3A_31 = vector.broadcast %logistic3A_30 : f32 to vector<4096x64xf32>
    %logistic3A_32 = arith.addf %logistic3A_31, %logistic3A_29 : vector<4096x64xf32>
    %logistic3A_33 = arith.divf %logistic3A_31, %logistic3A_32 : vector<4096x64xf32>
    %slice3A_34 = vector.extract_strided_slice %add3A_22 {offsets = [0, 64], sizes = [4096, 64], strides = [1, 1]} : vector<4096x192xf32> to vector<4096x64xf32>
    %slice3A_35 = vector.extract_strided_slice %add3A_26 {offsets = [0, 64], sizes = [4096, 64], strides = [1, 1]} : vector<4096x192xf32> to vector<4096x64xf32>
    %add3A_36 = arith.addf %slice3A_34, %slice3A_35 : vector<4096x64xf32>
    %logistic3A_37 = arith.negf %add3A_36 : vector<4096x64xf32>
    %logistic3A_38 = math.exp %logistic3A_37 : vector<4096x64xf32>
    %logistic3A_39 = arith.constant 1.000000e+00 : f32
    %logistic3A_40 = vector.broadcast %logistic3A_39 : f32 to vector<4096x64xf32>
    %logistic3A_41 = arith.addf %logistic3A_40, %logistic3A_38 : vector<4096x64xf32>
    %logistic3A_42 = arith.divf %logistic3A_40, %logistic3A_41 : vector<4096x64xf32>
    %slice3A_43 = vector.extract_strided_slice %add3A_22 {offsets = [0, 128], sizes = [4096, 64], strides = [1, 1]} : vector<4096x192xf32> to vector<4096x64xf32>
    %slice3A_44 = vector.extract_strided_slice %add3A_26 {offsets = [0, 128], sizes = [4096, 64], strides = [1, 1]} : vector<4096x192xf32> to vector<4096x64xf32>
    %mul3A = arith.mulf %logistic3A_33, %slice3A_44 : vector<4096x64xf32>
    %add3A_45 = arith.addf %slice3A_43, %mul3A : vector<4096x64xf32>
    %tanh3A = math.tanh %add3A_45 : vector<4096x64xf32>
    %sub3A = arith.constant 1.000000e+00 : f32
    %sub3A_46 = vector.broadcast %sub3A : f32 to vector<4096x64xf32>
    %sub3A_47 = arith.subf %sub3A_46, %logistic3A_42 : vector<4096x64xf32>
    %mul3A_48 = arith.mulf %sub3A_47, %tanh3A : vector<4096x64xf32>
    %mul3A_49 = arith.mulf %logistic3A_42, %get3A_8 : vector<4096x64xf32>
    %add3A_50 = arith.addf %mul3A_48, %mul3A_49 : vector<4096x64xf32>
    %swap3A = arith.constant 0 : index
    %swap3A_51 = arith.constant 0 : index
    %swap3A_52 = vector.load %arg7[%swap3A, %swap3A_51] : memref<4096x64xf32, #tpu.memory_space<vmem>>, vector<4096x64xf32>
    tpu.vector_store %arg7[%swap3A, %swap3A_51], %add3A_50 {strides = array<i32>} : memref<4096x64xf32, #tpu.memory_space<vmem>>, vector<4096x64xf32>,
    %swap3A_53 = arith.constant 0 : index
    %swap3A_54 = arith.constant 0 : index
    %swap3A_55 = arith.constant 0 : index
    %swap3A_56 = vector.load %arg6[%swap3A_53, %swap3A_54, %swap3A_55] : memref<1x4096x64xf32, #tpu.memory_space<vmem>>, vector<1x4096x64xf32>
    %swap3A_57 = vector.shape_cast %swap3A_56 : vector<1x4096x64xf32> to vector<4096x64xf32>
    %swap3A_58 = vector.shape_cast %add3A_50 : vector<4096x64xf32> to vector<1x4096x64xf32>
    tpu.vector_store %arg6[%swap3A_53, %swap3A_54, %swap3A_55], %swap3A_58 {strides = array<i32>} : memref<1x4096x64xf32, #tpu.memory_space<vmem>>, vector<1x4096x64xf32>,
    return
  }
  func.func @transform_0(%arg0: i32) -> (i32, i32, i32) {
    %c0_i32 = arith.constant 0 : i32
    %c0_i32_0 = arith.constant 0 : i32
    %c0_i32_1 = arith.constant 0 : i32
    return %arg0, %c0_i32, %c0_i32_0 : i32, i32, i32
  }
  func.func @transform_1(%arg0: i32) -> (i32, i32) {
    %c0_i32 = arith.constant 0 : i32
    %c0_i32_0 = arith.constant 0 : i32
    %c0_i32_1 = arith.constant 0 : i32
    return %c0_i32, %c0_i32_0 : i32, i32
  }
  func.func @transform_2(%arg0: i32) -> (i32, i32) {
    %c0_i32 = arith.constant 0 : i32
    %c0_i32_0 = arith.constant 0 : i32
    %c0_i32_1 = arith.constant 0 : i32
    return %c0_i32, %c0_i32_0 : i32, i32
  }
  func.func @transform_3(%arg0: i32) -> (i32, i32) {
    %c0_i32 = arith.constant 0 : i32
    %c0_i32_0 = arith.constant 0 : i32
    %c0_i32_1 = arith.constant 0 : i32
    return %c0_i32, %c0_i32_0 : i32, i32
  }
  func.func @transform_4(%arg0: i32) -> (i32, i32) {
    %c0_i32 = arith.constant 0 : i32
    %c0_i32_0 = arith.constant 0 : i32
    %c0_i32_1 = arith.constant 0 : i32
    return %c0_i32, %c0_i32_0 : i32, i32
  }
  func.func @transform_5(%arg0: i32) -> (i32, i32, i32) {
    %c0_i32 = arith.constant 0 : i32
    %c0_i32_0 = arith.constant 0 : i32
    %c0_i32_1 = arith.constant 0 : i32
    return %arg0, %c0_i32, %c0_i32_0 : i32, i32, i32
  }
}

module attributes {stable_mosaic.version = 14 : i64} {
  func.func @_bwd_body(%arg0: i32, %arg1: memref<1x4096x64xf32, #tpu.memory_space<vmem>>, %arg2: memref<1x4096x64xf32, #tpu.memory_space<vmem>>, %arg3: memref<192x64xf32, #tpu.memory_space<vmem>>, %arg4: memref<192x64xf32, #tpu.memory_space<vmem>>, %arg5: memref<1x192xf32, #tpu.memory_space<vmem>>, %arg6: memref<1x192xf32, #tpu.memory_space<vmem>>, %arg7: memref<4096x200x128xf32, #tpu.memory_space<any>>, %arg8: memref<4096x64xf32, #tpu.memory_space<vmem>>, %arg9: memref<2x4096x1x128xf32, #tpu.memory_space<vmem>>, %arg10: memref<2x!tpu.dma_semaphore, #tpu.memory_space<semaphore_mem>>) attributes {dimension_semantics = [#tpu.dimension_semantics<arbitrary>], iteration_bounds = array<i64: 200>, scalar_prefetch = 0 : i64, scratch_operands = 3 : i64, tpu.core_type = #tpu.core_type<tc>, window_params = [{transform_indices = @transform_0, window_bounds = array<i64: 1, 4096, 64>}, {transform_indices = @transform_1, window_bounds = array<i64: 1, 4096, 64>}, {pipeline_mode = #tpu.pipeline_mode<synchronous>, transform_indices = @transform_2, window_bounds = array<i64: 192, 64>}, {pipeline_mode = #tpu.pipeline_mode<synchronous>, transform_indices = @transform_3, window_bounds = array<i64: 192, 64>}, {pipeline_mode = #tpu.pipeline_mode<synchronous>, transform_indices = @transform_4, window_bounds = array<i64: 1, 192>}, {pipeline_mode = #tpu.pipeline_mode<synchronous>, transform_indices = @transform_5, window_bounds = array<i64: 1, 192>}, {}]} {
    %sub3A = arith.constant 199 : i32
    %sub3A_0 = arith.subi %sub3A, %arg0 : i32
    %rem3A = arith.constant 2 : i32
    %rem3A_1 = arith.remsi %arg0, %rem3A : i32
    %eq3A = arith.constant 0 : i32
    %eq3A_2 = arith.cmpi eq, %arg0, %eq3A : i32
    %convert_element_type3A = arith.extui %eq3A_2 : i1 to i32
    %cond3A = arith.constant 0 : i32
    %cond3A_3 = arith.cmpi ne, %convert_element_type3A, %cond3A : i32
    scf.if %cond3A_3 {
      %broadcast_in_dim3A = arith.constant 0.000000e+00 : f32
      %broadcast_in_dim3A_86 = vector.broadcast %broadcast_in_dim3A : f32 to vector<4096x64xf32>
      %swap3A_87 = arith.constant 0 : index
      %swap3A_88 = arith.constant 0 : index
      %swap3A_89 = vector.load %arg8[%swap3A_87, %swap3A_88] : memref<4096x64xf32, #tpu.memory_space<vmem>>, vector<4096x64xf32>
      tpu.vector_store %arg8[%swap3A_87, %swap3A_88], %broadcast_in_dim3A_86 {strides = array<i32>} : memref<4096x64xf32, #tpu.memory_space<vmem>>, vector<4096x64xf32>,
    } else {
    }
    %ge3A = arith.constant 2 : i32
    %ge3A_4 = arith.cmpi sge, %arg0, %ge3A : i32
    %convert_element_type3A_5 = arith.extui %ge3A_4 : i1 to i32
    %cond3A_6 = arith.constant 0 : i32
    %cond3A_7 = arith.cmpi ne, %convert_element_type3A_5, %cond3A_6 : i32
    scf.if %cond3A_7 {
      %dma_wait3A = tpu.memref_slice %arg10[%rem3A_1] : memref<2x!tpu.dma_semaphore, #tpu.memory_space<semaphore_mem>> -> memref<1x!tpu.dma_semaphore, #tpu.memory_space<semaphore_mem>>
      %dma_wait3A_86 = tpu.memref_squeeze %dma_wait3A : memref<1x!tpu.dma_semaphore, #tpu.memory_space<semaphore_mem>> -> memref<!tpu.dma_semaphore, #tpu.memory_space<semaphore_mem>>
      %dma_wait3A_87 = arith.constant 0 : i32
      %dma_wait3A_88 = arith.constant 0 : i32
      %dma_wait3A_89 = tpu.memref_slice %arg7[%dma_wait3A_87, %sub3A_0, %dma_wait3A_88] : memref<4096x200x128xf32, #tpu.memory_space<any>> -> memref<4096x1x128xf32, #tpu.memory_space<any>>
      %dma_wait3A_90 = arith.constant 0 : i32
      %dma_wait3A_91 = arith.constant 0 : i32
      %dma_wait3A_92 = arith.constant 0 : i32
      %dma_wait3A_93 = tpu.memref_slice %arg9[%rem3A_1, %dma_wait3A_90, %dma_wait3A_91, %dma_wait3A_92] : memref<2x4096x1x128xf32, #tpu.memory_space<vmem>> -> memref<1x4096x1x128xf32, #tpu.memory_space<vmem>>
      %dma_wait3A_94 = tpu.memref_squeeze %dma_wait3A_93 : memref<1x4096x1x128xf32, #tpu.memory_space<vmem>> -> memref<4096x1x128xf32, #tpu.memory_space<vmem>>
      tpu.wait_dma2 semaphore(%dma_wait3A_86 : memref<!tpu.dma_semaphore, #tpu.memory_space<semaphore_mem>>) src(%dma_wait3A_94 : memref<4096x1x128xf32, #tpu.memory_space<vmem>>) dst(%dma_wait3A_89 : memref<4096x1x128xf32, #tpu.memory_space<any>>)
    } else {
    }
    %get3A = arith.constant 0 : index
    %get3A_8 = arith.constant 0 : index
    %get3A_9 = arith.constant 0 : index
    %get3A_10 = vector.load %arg1[%get3A, %get3A_8, %get3A_9] : memref<1x4096x64xf32, #tpu.memory_space<vmem>>, vector<1x4096x64xf32>
    %get3A_11 = vector.shape_cast %get3A_10 : vector<1x4096x64xf32> to vector<4096x64xf32>
    %get3A_12 = arith.constant 0 : index
    %get3A_13 = arith.constant 0 : index
    %get3A_14 = vector.load %arg8[%get3A_12, %get3A_13] : memref<4096x64xf32, #tpu.memory_space<vmem>>, vector<4096x64xf32>
    %get3A_15 = arith.constant 0 : index
    %get3A_16 = arith.constant 0 : index
    %get3A_17 = vector.load %arg3[%get3A_15, %get3A_16] : memref<192x64xf32, #tpu.memory_space<vmem>>, vector<192x64xf32>
    %get3A_18 = arith.constant 0 : index
    %get3A_19 = arith.constant 0 : index
    %get3A_20 = vector.load %arg4[%get3A_18, %get3A_19] : memref<192x64xf32, #tpu.memory_space<vmem>>, vector<192x64xf32>
    %get3A_21 = arith.constant 0 : index
    %get3A_22 = arith.constant 0 : index
    %get3A_23 = vector.load %arg5[%get3A_21, %get3A_22] : memref<1x192xf32, #tpu.memory_space<vmem>>, vector<1x192xf32>
    %get3A_24 = arith.constant 0 : index
    %get3A_25 = arith.constant 0 : index
    %get3A_26 = vector.load %arg6[%get3A_24, %get3A_25] : memref<1x192xf32, #tpu.memory_space<vmem>>, vector<1x192xf32>
    %dot_general3A = arith.constant dense<0.000000e+00> : vector<4096x192xf32>
    %dot_general3A_27 = tpu.matmul %get3A_11, %get3A_17, %dot_general3A {dimension_numbers = #tpu.dot_dimension_numbers<[1], [1], [0], [0], [0, 0, 1, 0], [], []>, transpose_lhs_hint = false} : vector<4096x64xf32>, vector<192x64xf32>, vector<4096x192xf32> -> vector<4096x192xf32>
    %add3A = vector.broadcast %get3A_23 : vector<1x192xf32> to vector<4096x192xf32>
    %add3A_28 = arith.addf %dot_general3A_27, %add3A : vector<4096x192xf32>
    %dot_general3A_29 = arith.constant dense<0.000000e+00> : vector<4096x192xf32>
    %dot_general3A_30 = tpu.matmul %get3A_14, %get3A_20, %dot_general3A_29 {dimension_numbers = #tpu.dot_dimension_numbers<[1], [1], [0], [0], [0, 0, 1, 0], [], []>, transpose_lhs_hint = false} : vector<4096x64xf32>, vector<192x64xf32>, vector<4096x192xf32> -> vector<4096x192xf32>
    %add3A_31 = vector.broadcast %get3A_26 : vector<1x192xf32> to vector<4096x192xf32>
    %add3A_32 = arith.addf %dot_general3A_30, %add3A_31 : vector<4096x192xf32>
    %slice3A = vector.extract_strided_slice %add3A_28 {offsets = [0, 0], sizes = [4096, 64], strides = [1, 1]} : vector<4096x192xf32> to vector<4096x64xf32>
    %slice3A_33 = vector.extract_strided_slice %add3A_32 {offsets = [0, 0], sizes = [4096, 64], strides = [1, 1]} : vector<4096x192xf32> to vector<4096x64xf32>
    %add3A_34 = arith.addf %slice3A, %slice3A_33 : vector<4096x64xf32>
    %logistic3A = arith.negf %add3A_34 : vector<4096x64xf32>
    %logistic3A_35 = math.exp %logistic3A : vector<4096x64xf32>
    %logistic3A_36 = arith.constant 1.000000e+00 : f32
    %logistic3A_37 = vector.broadcast %logistic3A_36 : f32 to vector<4096x64xf32>
    %logistic3A_38 = arith.addf %logistic3A_37, %logistic3A_35 : vector<4096x64xf32>
    %logistic3A_39 = arith.divf %logistic3A_37, %logistic3A_38 : vector<4096x64xf32>
    %slice3A_40 = vector.extract_strided_slice %add3A_28 {offsets = [0, 64], sizes = [4096, 64], strides = [1, 1]} : vector<4096x192xf32> to vector<4096x64xf32>
    %slice3A_41 = vector.extract_strided_slice %add3A_32 {offsets = [0, 64], sizes = [4096, 64], strides = [1, 1]} : vector<4096x192xf32> to vector<4096x64xf32>
    %add3A_42 = arith.addf %slice3A_40, %slice3A_41 : vector<4096x64xf32>
    %logistic3A_43 = arith.negf %add3A_42 : vector<4096x64xf32>
    %logistic3A_44 = math.exp %logistic3A_43 : vector<4096x64xf32>
    %logistic3A_45 = arith.constant 1.000000e+00 : f32
    %logistic3A_46 = vector.broadcast %logistic3A_45 : f32 to vector<4096x64xf32>
    %logistic3A_47 = arith.addf %logistic3A_46, %logistic3A_44 : vector<4096x64xf32>
    %logistic3A_48 = arith.divf %logistic3A_46, %logistic3A_47 : vector<4096x64xf32>
    %slice3A_49 = vector.extract_strided_slice %add3A_28 {offsets = [0, 128], sizes = [4096, 64], strides = [1, 1]} : vector<4096x192xf32> to vector<4096x64xf32>
    %slice3A_50 = vector.extract_strided_slice %add3A_32 {offsets = [0, 128], sizes = [4096, 64], strides = [1, 1]} : vector<4096x192xf32> to vector<4096x64xf32>
    %mul3A = arith.mulf %logistic3A_39, %slice3A_50 : vector<4096x64xf32>
    %add3A_51 = arith.addf %slice3A_49, %mul3A : vector<4096x64xf32>
    %tanh3A = math.tanh %add3A_51 : vector<4096x64xf32>
    %sub3A_52 = arith.constant 1.000000e+00 : f32
    %sub3A_53 = vector.broadcast %sub3A_52 : f32 to vector<4096x64xf32>
    %sub3A_54 = arith.subf %sub3A_53, %logistic3A_48 : vector<4096x64xf32>
    %mul3A_55 = arith.mulf %sub3A_54, %tanh3A : vector<4096x64xf32>
    %mul3A_56 = arith.mulf %logistic3A_48, %get3A_14 : vector<4096x64xf32>
    %add3A_57 = arith.addf %mul3A_55, %mul3A_56 : vector<4096x64xf32>
    %swap3A = arith.constant 0 : index
    %swap3A_58 = arith.constant 0 : index
    %swap3A_59 = vector.load %arg8[%swap3A, %swap3A_58] : memref<4096x64xf32, #tpu.memory_space<vmem>>, vector<4096x64xf32>
    tpu.vector_store %arg8[%swap3A, %swap3A_58], %add3A_57 {strides = array<i32>} : memref<4096x64xf32, #tpu.memory_space<vmem>>, vector<4096x64xf32>,
    %get3A_60 = arith.constant 0 : index
    %get3A_61 = arith.constant 0 : index
    %get3A_62 = arith.constant 0 : index
    %get3A_63 = vector.load %arg2[%get3A_60, %get3A_61, %get3A_62] : memref<1x4096x64xf32, #tpu.memory_space<vmem>>, vector<1x4096x64xf32>
    %get3A_64 = vector.shape_cast %get3A_63 : vector<1x4096x64xf32> to vector<4096x64xf32>
    %concatenate3A = tpu.concatenate %get3A_64, %add3A_57 in 1 : vector<4096x64xf32>, vector<4096x64xf32> -> vector<4096x128xf32>
    %swap3A_65 = arith.index_cast %rem3A_1 : i32 to index
    %swap3A_66 = arith.constant 0 : index
    %swap3A_67 = arith.constant 0 : index
    %swap3A_68 = arith.constant 0 : index
    %swap3A_69 = vector.load %arg9[%swap3A_65, %swap3A_66, %swap3A_67, %swap3A_68] : memref<2x4096x1x128xf32, #tpu.memory_space<vmem>>, vector<1x4096x1x128xf32>
    %swap3A_70 = vector.shape_cast %swap3A_69 : vector<1x4096x1x128xf32> to vector<4096x128xf32>
    %swap3A_71 = vector.shape_cast %concatenate3A : vector<4096x128xf32> to vector<1x4096x1x128xf32>
    tpu.vector_store %arg9[%swap3A_65, %swap3A_66, %swap3A_67, %swap3A_68], %swap3A_71 {strides = array<i32>} : memref<2x4096x1x128xf32, #tpu.memory_space<vmem>>, vector<1x4096x1x128xf32>,
    %dma_start3A = tpu.memref_slice %arg10[%rem3A_1] : memref<2x!tpu.dma_semaphore, #tpu.memory_space<semaphore_mem>> -> memref<1x!tpu.dma_semaphore, #tpu.memory_space<semaphore_mem>>
    %dma_start3A_72 = tpu.memref_squeeze %dma_start3A : memref<1x!tpu.dma_semaphore, #tpu.memory_space<semaphore_mem>> -> memref<!tpu.dma_semaphore, #tpu.memory_space<semaphore_mem>>
    %dma_start3A_73 = arith.constant 0 : i32
    %dma_start3A_74 = arith.constant 0 : i32
    %dma_start3A_75 = tpu.memref_slice %arg7[%dma_start3A_73, %sub3A_0, %dma_start3A_74] : memref<4096x200x128xf32, #tpu.memory_space<any>> -> memref<4096x1x128xf32, #tpu.memory_space<any>>
    %dma_start3A_76 = arith.constant 0 : i32
    %dma_start3A_77 = arith.constant 0 : i32
    %dma_start3A_78 = arith.constant 0 : i32
    %dma_start3A_79 = tpu.memref_slice %arg9[%rem3A_1, %dma_start3A_76, %dma_start3A_77, %dma_start3A_78] : memref<2x4096x1x128xf32, #tpu.memory_space<vmem>> -> memref<1x4096x1x128xf32, #tpu.memory_space<vmem>>
    %dma_start3A_80 = tpu.memref_squeeze %dma_start3A_79 : memref<1x4096x1x128xf32, #tpu.memory_space<vmem>> -> memref<4096x1x128xf32, #tpu.memory_space<vmem>>
    tpu.enqueue_dma source(%dma_start3A_80 : memref<4096x1x128xf32, #tpu.memory_space<vmem>>) target(%dma_start3A_75 : memref<4096x1x128xf32, #tpu.memory_space<any>>) target_semaphore(%dma_start3A_72 : memref<!tpu.dma_semaphore, #tpu.memory_space<semaphore_mem>>)
    %eq3A_81 = arith.constant 199 : i32
    %eq3A_82 = arith.cmpi eq, %arg0, %eq3A_81 : i32
    %convert_element_type3A_83 = arith.extui %eq3A_82 : i1 to i32
    %cond3A_84 = arith.constant 0 : i32
    %cond3A_85 = arith.cmpi ne, %convert_element_type3A_83, %cond3A_84 : i32
    scf.if %cond3A_85 {
      %dma_wait3A = arith.constant 0 : i32
      %dma_wait3A_86 = arith.constant 0 : i32
      %dma_wait3A_87 = tpu.memref_slice %arg10[%dma_wait3A_86] : memref<2x!tpu.dma_semaphore, #tpu.memory_space<semaphore_mem>> -> memref<1x!tpu.dma_semaphore, #tpu.memory_space<semaphore_mem>>
      %dma_wait3A_88 = tpu.memref_squeeze %dma_wait3A_87 : memref<1x!tpu.dma_semaphore, #tpu.memory_space<semaphore_mem>> -> memref<!tpu.dma_semaphore, #tpu.memory_space<semaphore_mem>>
      %dma_wait3A_89 = arith.constant 0 : i32
      %dma_wait3A_90 = arith.constant 0 : i32
      %dma_wait3A_91 = tpu.memref_slice %arg7[%dma_wait3A_89, %sub3A_0, %dma_wait3A_90] : memref<4096x200x128xf32, #tpu.memory_space<any>> -> memref<4096x1x128xf32, #tpu.memory_space<any>>
      %dma_wait3A_92 = arith.constant 0 : i32
      %dma_wait3A_93 = arith.constant 0 : i32
      %dma_wait3A_94 = arith.constant 0 : i32
      %dma_wait3A_95 = tpu.memref_slice %arg9[%dma_wait3A, %dma_wait3A_92, %dma_wait3A_93, %dma_wait3A_94] : memref<2x4096x1x128xf32, #tpu.memory_space<vmem>> -> memref<1x4096x1x128xf32, #tpu.memory_space<vmem>>
      %dma_wait3A_96 = tpu.memref_squeeze %dma_wait3A_95 : memref<1x4096x1x128xf32, #tpu.memory_space<vmem>> -> memref<4096x1x128xf32, #tpu.memory_space<vmem>>
      tpu.wait_dma2 semaphore(%dma_wait3A_88 : memref<!tpu.dma_semaphore, #tpu.memory_space<semaphore_mem>>) src(%dma_wait3A_96 : memref<4096x1x128xf32, #tpu.memory_space<vmem>>) dst(%dma_wait3A_91 : memref<4096x1x128xf32, #tpu.memory_space<any>>)
      %dma_wait3A_97 = arith.constant 1 : i32
      %dma_wait3A_98 = arith.constant 1 : i32
      %dma_wait3A_99 = tpu.memref_slice %arg10[%dma_wait3A_98] : memref<2x!tpu.dma_semaphore, #tpu.memory_space<semaphore_mem>> -> memref<1x!tpu.dma_semaphore, #tpu.memory_space<semaphore_mem>>
      %dma_wait3A_100 = tpu.memref_squeeze %dma_wait3A_99 : memref<1x!tpu.dma_semaphore, #tpu.memory_space<semaphore_mem>> -> memref<!tpu.dma_semaphore, #tpu.memory_space<semaphore_mem>>
      %dma_wait3A_101 = arith.constant 0 : i32
      %dma_wait3A_102 = arith.constant 0 : i32
      %dma_wait3A_103 = tpu.memref_slice %arg7[%dma_wait3A_101, %sub3A_0, %dma_wait3A_102] : memref<4096x200x128xf32, #tpu.memory_space<any>> -> memref<4096x1x128xf32, #tpu.memory_space<any>>
      %dma_wait3A_104 = arith.constant 0 : i32
      %dma_wait3A_105 = arith.constant 0 : i32
      %dma_wait3A_106 = arith.constant 0 : i32
      %dma_wait3A_107 = tpu.memref_slice %arg9[%dma_wait3A_97, %dma_wait3A_104, %dma_wait3A_105, %dma_wait3A_106] : memref<2x4096x1x128xf32, #tpu.memory_space<vmem>> -> memref<1x4096x1x128xf32, #tpu.memory_space<vmem>>
      %dma_wait3A_108 = tpu.memref_squeeze %dma_wait3A_107 : memref<1x4096x1x128xf32, #tpu.memory_space<vmem>> -> memref<4096x1x128xf32, #tpu.memory_space<vmem>>
      tpu.wait_dma2 semaphore(%dma_wait3A_100 : memref<!tpu.dma_semaphore, #tpu.memory_space<semaphore_mem>>) src(%dma_wait3A_108 : memref<4096x1x128xf32, #tpu.memory_space<vmem>>) dst(%dma_wait3A_103 : memref<4096x1x128xf32, #tpu.memory_space<any>>)
    } else {
    }
    return
  }
  func.func @transform_0(%arg0: i32) -> (i32, i32, i32) {
    %sub3A = arith.constant 199 : i32
    %sub3A_0 = arith.subi %sub3A, %arg0 : i32
    %c0_i32 = arith.constant 0 : i32
    %c0_i32_1 = arith.constant 0 : i32
    %c0_i32_2 = arith.constant 0 : i32
    return %sub3A_0, %c0_i32, %c0_i32_1 : i32, i32, i32
  }
  func.func @transform_1(%arg0: i32) -> (i32, i32, i32) {
    %sub3A = arith.constant 199 : i32
    %sub3A_0 = arith.subi %sub3A, %arg0 : i32
    %c0_i32 = arith.constant 0 : i32
    %c0_i32_1 = arith.constant 0 : i32
    %c0_i32_2 = arith.constant 0 : i32
    return %sub3A_0, %c0_i32, %c0_i32_1 : i32, i32, i32
  }
  func.func @transform_2(%arg0: i32) -> (i32, i32) {
    %c0_i32 = arith.constant 0 : i32
    %c0_i32_0 = arith.constant 0 : i32
    %c0_i32_1 = arith.constant 0 : i32
    return %c0_i32, %c0_i32_0 : i32, i32
  }
  func.func @transform_3(%arg0: i32) -> (i32, i32) {
    %c0_i32 = arith.constant 0 : i32
    %c0_i32_0 = arith.constant 0 : i32
    %c0_i32_1 = arith.constant 0 : i32
    return %c0_i32, %c0_i32_0 : i32, i32
  }
  func.func @transform_4(%arg0: i32) -> (i32, i32) {
    %c0_i32 = arith.constant 0 : i32
    %c0_i32_0 = arith.constant 0 : i32
    %c0_i32_1 = arith.constant 0 : i32
    return %c0_i32, %c0_i32_0 : i32, i32
  }
  func.func @transform_5(%arg0: i32) -> (i32, i32) {
    %c0_i32 = arith.constant 0 : i32
    %c0_i32_0 = arith.constant 0 : i32
    %c0_i32_1 = arith.constant 0 : i32
    return %c0_i32, %c0_i32_0 : i32, i32
  }
}

</mosaic_0001>

<sc_bundles>
// kernel: kernel.6.cloned.1.call-start
scs
__scs_entry_jumppad:
0x0: {  	(pc) =	sbr.rel $0x88, $3  }
0x1: {  	(tag) =	ssettag $0x0;
	lr =	simm.s32 $0x1  }
0x2: {  	[smem:$0x3F97] =	sst lr;
	_ =	strace $0xD0000000  }
0x3: {  	_ = 	snop  }
0x4: {  	_ = 	snop  }
0x5: {  	_ = 	snop  }
0x6: {  	_ = 	snop  }
0x7: {  	_ = 	snop  }
__scs_overlays_trampoline_lowered:
0x8: {  	[smem:$0x3FA6] =	sst s0  }
0x9: {  	[smem:$0x3FA7] =	sst s1  }
0xa: {  	[smem:$0x3FA8] =	sst s2  }
0xb: {  	[smem:$0x3FA9] =	sst s3  }
0xc: {  	[smem:$0x3FAA] =	sst s4  }
0xd: {  	[smem:$0x3FAB] =	sst s5  }
0xe: {  	[smem:$0x3FAC] =	sst s6  }
0xf: {  	[smem:$0x3FAD] =	sst s7  }
0x10: {  	[smem:$0x3FAE] =	sst s8  }
0x11: {  	[smem:$0x3FAF] =	sst s9;
	s0 =	simm.s32 @!p0 $0x0  }
0x12: {  	s1 =	sld [smem:$0x3F95];
	s0 =	simm.s32 @p0 $0x1  }
0x13: {  	[smem:$0x3FB0] =	sst s0;
	s0 =	simm.s32 @!p1 $0x0  }
0x14: {  	s2 =	sld [smem:$0x3F94];
	s0 =	simm.s32 @p1 $0x1  }
0x15: {  	[smem:$0x3FB1] =	sst s0;
	s0 =	simm.s32 @!p2 $0x0  }
0x16: {  	s3 =	sld [smem:$0x3FDB];
	s0 =	simm.s32 @p2 $0x1  }
0x17: {  	s4 =	simm.s32 $0x1BF5;
	[smem:$0x3FB3] =	sst s0  }
0x18: {  	s0 =	sld [smem:$0x3F96];
	_ =	swait.ge [sflag:s4], $0x0  }
0x19: {  	s7 =	sld [smem:$0x3F97]  }
0x1a: {  	s8 =	sadd.s32 $0xFFFFE003, lr  }
0x1b: {  	s9 =	sadd.s32 $0xFFFFFEF7, lr;
	s5 =	simm.s32 $0xFFFFFFFF;
	p2 =	slt.u32 s8, $0xFFFFF086  }
0x1c: {  	p1 =	slt.u32 s9, $0xF7A;
	s5 =	simm.s32 @!p2 $0x0  }
0x1d: {  	s5 =	simm.s32 @p1 $0x1;
	p0 =	seq.s32 s7, s2  }
0x1e: {  	s7 =	smul.u32 @!p0 $0xF7A, s2;
	p2 =	seq.s32 @!p0 s5, $0x0  }
0x1f: {  	s9 =	smul.u32 $0xF7A, s1;
	s8 =	simm.s32 @!p0 $0x1BF5;
	p2 =	por !p2, p0  }
0x20: {  	[sflag:s8] =	ssyncset.s32 @!p0 $0xFFFFF086;
	s6 =	sadd.s32 @!p0 s3, s7;
	s7 =	simm.s32 @!p0 $0x108  }
0x21: {  	s3 =	sadd.s32 s3, s9;
	s6 =	sadd.s32 @!p0 $0x88, s6;
	s7 =	simm.s32 @p2 $0x1082  }
0x22: {  	[simem:s7], [sflag:s8] =	dma.local @!p0 [hbm:s6], $0xF7A  }
0x23: {  	s9 =	sor.u32 $0xD0000000, s2;
	s6 =	simm.s32 $0x108;
	_ =	swait.ge @!p0 [sflag:s8], $0x0  }
0x24: {  	s3 =	sadd.s32 $0x88, s3;
	s6 =	simm.s32 @!p1 $0x1082;
	[sflag:s4] =	ssyncset.s32 $0xFFFFF086  }
0x25: {  	[simem:s6], [sflag:s4] =	dma.local [hbm:s3], $0xF7A  }
0x26: {  	[smem:$0x3F97] =	sst s1;
	(tag) =	ssettag s2;
	_ =	strace s9  }
0x27: {  	s1 =	sld [smem:$0x3FA7]  }
0x28: {  	s2 =	sld [smem:$0x3FA8]  }
0x29: {  	s4 =	sld [smem:$0x3FAA]  }
0x2a: {  	p0 =	seq.s32 s5, $0x0;
	s5 =	sld [smem:$0x3FAB]  }
0x2b: {  	s6 =	sld [smem:$0x3FAC]  }
0x2c: {  	s7 =	sld [smem:$0x3FAD]  }
0x2d: {  	s3 =	simm.s32 $0x108;
	s8 =	sld [smem:$0x3FAE]  }
0x2e: {  	s3 =	simm.s32 @!p0 $0x1082;
	s9 =	sld [smem:$0x3FAF]  }
0x2f: {  	lr =	sadd.s32 s0, s3;
	s0 =	sld [smem:$0x3FA6]  }
0x30: {  	s3 =	sld [smem:$0x3FA9]  }
0x31: {  	[smem:$0x3FB2] =	sst s10  }
0x32: {  	s10 =	sld [smem:$0x3FB0];
	_ =	sdelay $0x3  }
0x33: {  	p0 =	seq.s32 s10, $0x1;
	s10 =	sld [smem:$0x3FB2];
	_ =	sdelay $0x3  }
0x34: {  	[smem:$0x3FB2] =	sst s10  }
0x35: {  	s10 =	sld [smem:$0x3FB1];
	_ =	sdelay $0x3  }
0x36: {  	p1 =	seq.s32 s10, $0x1;
	s10 =	sld [smem:$0x3FB2];
	_ =	sdelay $0x3  }
0x37: {  	[smem:$0x3FB2] =	sst s10  }
0x38: {  	s10 =	sld [smem:$0x3FB3]  }
0x39: {  	_ = 	snop;
	(pc) =	sbr.ind lr, $3  }
0x3a: {  	_ = 	snop  }
0x3b: {  	_ = 	snop  }
0x3c: {  	p2 =	seq.s32 s10, $0x1;
	s10 =	sld [smem:$0x3FB2]  }
0x3d: {  	_ =	shalt  }
0x3e: {  	_ =	shalt  }
0x3f: {  	_ =	shalt  }
0x40: {  	_ =	shalt  }
0x41: {  	_ =	shalt  }
0x42: {  	_ =	shalt  }
0x43: {  	_ =	shalt  }
0x44: {  	_ =	shalt  }
0x45: {  	_ =	shalt  }
0x46: {  	_ =	shalt  }
0x47: {  	_ =	shalt  }
0x48: {  	_ =	shalt  }
0x49: {  	_ =	shalt  }
0x4a: {  	_ =	shalt  }
0x4b: {  	_ =	shalt  }
0x4c: {  	_ =	shalt  }
0x4d: {  	_ =	shalt  }
0x4e: {  	_ =	shalt  }
0x4f: {  	_ =	shalt  }
0x50: {  	_ =	shalt  }
0x51: {  	_ =	shalt  }
0x52: {  	_ =	shalt  }
0x53: {  	_ =	shalt  }
0x54: {  	_ =	shalt  }
0x55: {  	_ =	shalt  }
0x56: {  	_ =	shalt  }
0x57: {  	_ =	shalt  }
0x58: {  	_ =	shalt  }
0x59: {  	_ =	shalt  }
0x5a: {  	_ =	shalt  }
0x5b: {  	_ =	shalt  }
0x5c: {  	_ =	shalt  }
0x5d: {  	_ =	shalt  }
0x5e: {  	_ =	shalt  }
0x5f: {  	_ =	shalt  }
0x60: {  	_ =	shalt  }
0x61: {  	_ =	shalt  }
0x62: {  	_ =	shalt  }
0x63: {  	_ =	shalt  }
0x64: {  	_ =	shalt  }
0x65: {  	_ =	shalt  }
0x66: {  	_ =	shalt  }
0x67: {  	_ =	shalt  }
0x68: {  	_ =	shalt  }
0x69: {  	_ =	shalt  }
0x6a: {  	_ =	shalt  }
0x6b: {  	_ =	shalt  }
0x6c: {  	_ =	shalt  }
0x6d: {  	_ =	shalt  }
0x6e: {  	_ =	shalt  }
0x6f: {  	_ =	shalt  }
0x70: {  	_ =	shalt  }
0x71: {  	_ =	shalt  }
0x72: {  	_ =	shalt  }
0x73: {  	_ =	shalt  }
0x74: {  	_ =	shalt  }
0x75: {  	_ =	shalt  }
0x76: {  	_ =	shalt  }
0x77: {  	_ =	shalt  }
0x78: {  	_ =	shalt  }
0x79: {  	_ =	shalt  }
0x7a: {  	_ =	shalt  }
0x7b: {  	_ =	shalt  }
0x7c: {  	_ =	shalt  }
0x7d: {  	_ =	shalt  }
0x7e: {  	_ =	shalt  }
0x7f: {  	_ =	shalt  }
0x80: {  	_ =	shalt  }
0x81: {  	_ =	shalt  }
0x82: {  	_ =	shalt  }
0x83: {  	_ =	shalt  }
0x84: {  	_ =	shalt  }
0x85: {  	_ =	shalt  }
0x86: {  	_ =	shalt  }
0x87: {  	_ =	shalt  }
.Lfunc_end0:
.L_simem_size_0:
called_computation_lowered:
.L_overlay_start_0:
0x88: {  	s2 =	sld [smem:$0x3FD9]  }
0x89: {  	s3 =	sld [smem:$0x3FFE];
	_ =	sdelay $0x1  }
0x8a: {  	s1 =	srdreg.scid  }
0x8b: {  	s0 =	sand.u32 $0x1, s1  }
0x8c: {  	s17 =	sshll.u32 s0, $0xA;
	s2 =	sadd.s32 s3, s2  }
0x8d: {  	s2 =	sadd.s32 s2, s17  }
0x8e: {  	[smem:$0x3FBE] =	sst s2  }
0x8f: {  	_ = 	snop  }
0x90: {  	s2 =	sld [smem:$0x3FD0];
	(tm) =	ssettm $0x1  }
0x91: {  	s18 =	sld [smem:$0x3FFB];
	_ =	sdelay $0x3  }
0x92: {  	_ =	strace s18  }
0x93: {  	s3 =	sld [smem:$0x3FFC];
	_ =	sdelay $0x3  }
0x94: {  	_ =	strace s3  }
0x95: {  	s3 =	sld [smem:$0x3FFD];
	_ =	sdelay $0x3  }
0x96: {  	_ =	strace s3  }
0x97: {  	_ =	strace $0x8FFFFFFF  }
0x98: {  	s19 =	sld [smem:$0x3FDB];
	_ =	sdelay $0x1  }
0x99: {  	s4 =	simm.s32 $_scs_section_size  }
0x9a: {  	s5 =	simm.s32 $_size__tile_overlayer_lowered;
	s6 =	simm.s32 $_tile_overlayer_lowered  }
0x9b: {  	s22 =	simm.s32 $0x1BFF;
	s21 =	sshll.u32 s6, $0x1;
	s3 =	sadd.s32 s4, s19  }
0x9c: {  	s7 =	simm.s32 $0x0;
	s20 =	sshll.u32 s5, $0x1;
	s5 =	sadd.s32 s21, s3  }
0x9d: {  	[timem:s7], [sflag:s22] =	dma.local [hbm:s5], s20  }
0x9e: {  	_ =	swait.ge [sflag:s22], s20  }
0x9f: {  	s4 =	ssub.s32 $0x0, s20;
	[sflag:s22] =	ssyncset.done $0x0  }
0xa0: {  	[sflag:s22] =	ssyncadd.s32 s4;
	_ =	sdelay $0x1  }
0xa1: {  	s23 =	simm.s32 $0x1B8B  }
0xa2: {  	_ =	swait.ge [sflag:s23], $0x1  }
0xa3: {  	[sflag:s23] =	ssyncset.done $0x0  }
0xa4: {  	s25 =	simm.s32 $0x1B8E;
	s24 =	sld [smem:$0x3FFE];
	[sflag:s23] =	ssyncadd.s32 $0xFFFFFFFF  }
0xa5: {  	s26 =	simm.s32 $execute0_lowered;
	[smem:$0x3FD2] =	sst s25  }
0xa6: {  	s5 =	sshll.u32 s26, $0x1;
	_ =	strace $0x80000046;
	[dreg:$0x1] =	wrdreg $0xFFFFFFFF  }
0xa7: {  	s28 =	simm.s32 $_size_execute0_lowered;
	s3 =	sadd.s32 s3, s5;
	[dreg:$0x0] =	wrdreg $0x0  }
0xa8: {  	s5 =	sshll.u32 s28, $0x1;
	[dreg:$0x2] =	wrdreg s3  }
0xa9: {  	[dreg:$0x3] =	wrdreg s5  }
0xaa: {  	[dreg:$0x4] =	wrdreg $0xC0  }
0xab: {  	_ =	task [dreg:s7], $0x5FFFF  }
0xac: {  	[dreg:$0x1] =	wrdreg $0xFFFFFFFF  }
0xad: {  	[dreg:$0x0] =	wrdreg $0x60  }
0xae: {  	[dreg:$0x2] =	wrdreg s2  }
0xaf: {  	[dreg:$0x3] =	wrdreg s24  }
0xb0: {  	[dreg:$0x4] =	wrdreg $0x9  }
0xb1: {  	_ =	task.clear_ibuf [dreg:s7], $0x5FFFF;
	_ =	strace $0x90000046  }
0xb2: {  	s29 =	simm.s32 $0x9;
	_ =	strace $0x80000048  }
0xb3: {  	_ =	swait.ge [sflag:s29], $0x1  }
0xb4: {  	[sflag:s29] =	ssyncadd.s32 $0xFFFFFFFF  }
0xb5: {  	_ =	strace $0x90000048  }
0xb6: {  	_ =	sfence  }
0xb7: {  	s30 =	sld [smem:$0x0];
	_ =	sdelay $0x2  }
0xb8: {  	s31 =	sshll.u32 s1, $0xD;
	s1 =	sshrl.u32 s1, $0x2  }
0xb9: {  	s3 =	sand.u32 $0x4000, s31;
	s1 =	sadd.s32 s1, s30  }
0xba: {  	s0 =	sor.u32 s3, s0;
	s1 =	sshll.u32 s1, $0x11  }
0xbb: {  	s0 =	sor.u32 s1, s0  }
0xbc: {  	s0 =	sadd.s32 $0x8F2B, s0  }
0xbd: {  	[sflag:s0] =	ssyncadd.remote.s32 $0x1  }
0xbe: {  	_ =	sfence.sel $0xFFFF  }
0xbf: {  	[dreg:$0x0] =	wrdreg $0xFFFFFFFF;
	(pc) =	sbr.abs _section_cstart, $3  }
0xc0: {  	[dreg:$0x1] =	wrdreg $0xFFFFFFFF  }
0xc1: {  	_ =	task.clear_ibuf [dreg:s7], $0x2FFFF;
	_ =	strace $0x9FFFFFFF  }
0xc2: {  	(tm) =	ssettm $0x7FFFFFFF  }
0xc3: {  	_ =	shalt  }
tec
execute0_lowered:
.L_overlay_start_1:
0x0: {  	(tag) =	ssettag $0x1  }
0x1: {  	s2 =	rddreg [dreg:$0x0];
	s1 =	srdreg.scid  }
0x2: {  	s0 =	stileid.u32;
	s4 =	rddreg [dreg:$0x1]  }
0x3: {  	s3 =	simm.s32 $0x0;
	s14 =	simm.s32 $0x1;
	s12 =	smul.u32 $0x64000, s0  }
0x4: {  	s15 =	simm.s32 $0x2;
	s7 =	sand.u32 $0x1, s1;
	s24 =	smul.u32 $0x320000, s0  }
0x5: {  	s16 =	simm.s32 $0x0;
	s5 =	sshll.u32 s0, $0x1;
	s26 =	smul.u32 $0x190000, s7  }
0x6: {  	s1 =	rddreg [dreg:$0x2];
	s5 =	sor.u32 s7, s5;
	s13 =	smul.u32 $0x32000, s7  }
0x7: {  	[smem:$0x7FF] =	sst s3;
	s11 =	sadd.s32 $0x1AC00, s4;
	s6 =	smul.u32 $0xC80, s5  }
0x8: {  	_ =	strace $0x80000047;
	s9 =	ssub.s32 $0x2, s7;
	s8 =	smul.u32 $0x190000, s5  }
0x9: {  	s10 =	smul.u32 $0x32000, s5;
	s22 =	sshrl.u32 s9, $0x1;
	s29 =	sadd.s32 s12, s11  }
0xa: {  	s12 =	simm.s32 $0x6400;
	s23 =	ssub.s32 s9, s22;
	s30 =	sadd.s32 s13, s29  }
0xb: {  	s13 =	simm.s32 $0x8400;
	s6 =	sadd.s32 s6, s4;
	s8 =	sshrl.u32 s8, $0x3  }
0xc: {  	s5 =	smax.u32 s23, $0x1;
	s28 =	sadd.s32 s10, s11;
	s10 =	simm.s32 $0x3  }
0xd: {  	s4 =	sadd.s32 $0x1C00, s6;
	s25 =	sadd.s32 s11, s8;
	s8 =	sadd.s32 s26, s24  }
0xe: {  	s7 =	sadd.s32 $0x31C00, s28;
	s6 =	sadd.s32 $0x31800, s25;
	s31 =	sshrl.u32 s8, $0x3  }
0xf: {  	s8 =	sadd.s32 $0x400, s30;
	s9 =	sadd.s32 s31, s11;
	s11 =	simm.s32 $0x80  }
.LBB2_1:
0x10: {  	[tilespmem:s3], [sflag:$0x3] =	stream.linear.gather [hbm4b:s4+s3], $0x6400, $0x38;
	[tilespmem:$0xA400] =	vst v63  }
0x11: {  	_ =	swait.ge [sflag:s10], $0x6400  }
0x12: {  	[sflag:s10] =	ssyncset.done $0x0  }
0x13: {  	[sflag:s10] =	ssyncadd.s32 $0xFFFF9C00  }
0x14: {  	[tilespmem:s12], [sflag:$0x1] =	stream.indirect.gather [hbm4b:s2+s11], $0x40, s3, s11, $0xb8;
	[tilespmem:$0xA400] =	vst v63  }
0x15: {  	_ = 	snop  }
0x16: {  	[tilespmem:s13], [sflag:$0x2] =	stream.indirect.gather [hbm4b:s2+s11], $0x40, s11, s11, $0xb8;
	[tilespmem:$0xA400] =	vst v63  }
0x17: {  	_ =	swait.ge [sflag:s14], $0x2000  }
0x18: {  	[sflag:s14] =	ssyncset.done $0x0  }
0x19: {  	s17 =	sadd.s32 $0x0, s9;
	[sflag:s14] =	ssyncadd.s32 $0xFFFFE000  }
0x1a: {  	[hbm4b:s17+s3] =	stream.linear.scatter [tilespmem:s12], [sflag:$0x3], $0x2000, $0x38;
	[tilespmem:$0xA400] =	vst v63  }
0x1b: {  	_ =	swait.ge [sflag:s10], $0x2000  }
0x1c: {  	[sflag:s10] =	ssyncset.done $0x0  }
0x1d: {  	s30 =	simm.s32 $0x100;
	[sflag:s10] =	ssyncadd.s32 $0xFFFFE000  }
0x1e: {  	[tilespmem:s12], [sflag:$0x1] =	stream.indirect.gather [hbm4b:s2+s11], $0x40, s30, s11, $0xb8;
	[tilespmem:$0xA400] =	vst v63  }
0x1f: {  	_ =	swait.ge [sflag:s15], $0x2000  }
0x20: {  	[sflag:s15] =	ssyncset.done $0x0  }
0x21: {  	s31 =	sadd.s32 $0x0, s8;
	[sflag:s15] =	ssyncadd.s32 $0xFFFFE000  }
0x22: {  	[hbm4b:s31+s3] =	stream.linear.scatter [tilespmem:s13], [sflag:$0x3], $0x2000, $0x38;
	[tilespmem:$0xA400] =	vst v63  }
0x23: {  	_ =	swait.ge [sflag:s10], $0x2000  }
0x24: {  	s18 =	simm.s32 $0x800;
	[sflag:s10] =	ssyncset.done $0x0  }
0x25: {  	s19 =	simm.s32 $0x280;
	s17 =	simm.s32 $0x180;
	[sflag:s10] =	ssyncadd.s32 $0xFFFFE000  }
.LBB2_2:
0x26: {  	[tilespmem:s13], [sflag:$0x2] =	stream.indirect.gather [hbm4b:s2+s11], $0x40, s17, s11, $0xb8;
	[tilespmem:$0xA400] =	vst v63  }
0x27: {  	s20 =	smov.u32 s18;
	s17 =	smov.u32 s19  }
0x28: {  	p0 =	sne.s32 s18, $0x31000;
	s18 =	sadd.s32 $0x800, s18;
	_ =	swait.ge [sflag:s14], $0x2000  }
0x29: {  	[sflag:s14] =	ssyncset.done $0x0  }
0x2a: {  	s21 =	sadd.s32 s20, s9;
	[sflag:s14] =	ssyncadd.s32 $0xFFFFE000  }
0x2b: {  	[hbm4b:s21+s3] =	stream.linear.scatter [tilespmem:s12], [sflag:$0x3], $0x2000, $0x38;
	[tilespmem:$0xA400] =	vst v63  }
0x2c: {  	_ =	swait.ge [sflag:s10], $0x2000  }
0x2d: {  	[sflag:s10] =	ssyncset.done $0x0  }
0x2e: {  	s21 =	sadd.s32 $0xFFFFFF80, s19;
	[sflag:s10] =	ssyncadd.s32 $0xFFFFE000  }
0x2f: {  	[tilespmem:s12], [sflag:$0x1] =	stream.indirect.gather [hbm4b:s2+s11], $0x40, s21, s11, $0xb8;
	[tilespmem:$0xA400] =	vst v63  }
0x30: {  	_ =	swait.ge [sflag:s15], $0x2000  }
0x31: {  	[sflag:s15] =	ssyncset.done $0x0  }
.Ltmp0:
0x32: {  	s20 =	sadd.s32 s20, s8;
	[sflag:s15] =	ssyncadd.s32 $0xFFFFE000;
	(pc) =	sbr.rel @p0 .LBB2_2-.Ltmp0, $4  }
0x33: {  	[hbm4b:s20+s3] =	stream.linear.scatter [tilespmem:s13], [sflag:$0x3], $0x2000, $0x38;
	[tilespmem:$0xA400] =	vst v63  }
0x34: {  	_ =	swait.ge [sflag:s10], $0x2000  }
0x35: {  	[sflag:s10] =	ssyncset.done $0x0  }
0x36: {  	s19 =	sadd.s32 $0x100, s19;
	[sflag:s10] =	ssyncadd.s32 $0xFFFFE000  }
0x37: {  	[tilespmem:s13], [sflag:$0x2] =	stream.indirect.gather [hbm4b:s2+s11], $0x40, s17, s11, $0xb8;
	[tilespmem:$0xA400] =	vst v63  }
0x38: {  	_ =	swait.ge [sflag:s14], $0x2000  }
0x39: {  	[sflag:s14] =	ssyncset.done $0x0  }
0x3a: {  	[sflag:s14] =	ssyncadd.s32 $0xFFFFE000  }
0x3b: {  	[hbm4b:s6+s3] =	stream.linear.scatter [tilespmem:s12], [sflag:$0x3], $0x2000, $0x38;
	[tilespmem:$0xA400] =	vst v63  }
0x3c: {  	_ =	swait.ge [sflag:s10], $0x2000  }
0x3d: {  	[sflag:s10] =	ssyncset.done $0x0  }
0x3e: {  	[sflag:s10] =	ssyncadd.s32 $0xFFFFE000  }
0x3f: {  	s16 =	sadd.s32 $0x1, s16;
	_ =	swait.ge [sflag:s15], $0x2000  }
0x40: {  	p0 =	sne.s32 s16, s5;
	[sflag:s15] =	ssyncset.done $0x0  }
.Ltmp1:
0x41: {  	[sflag:s15] =	ssyncadd.s32 $0xFFFFE000;
	(pc) =	sbr.rel @p0 .LBB2_1-.Ltmp1, $4  }
0x42: {  	[hbm4b:s7+s3] =	stream.linear.scatter [tilespmem:s13], [sflag:$0x3], $0x2000, $0x38;
	[tilespmem:$0xA400] =	vst v63  }
0x43: {  	_ =	swait.ge [sflag:s10], $0x2000  }
0x44: {  	[sflag:s10] =	ssyncset.done $0x0  }
0x45: {  	[sflag:s10] =	ssyncadd.s32 $0xFFFFE000  }
0x46: {  	_ =	sfence.sel $0x180000  }
0x47: {  	[bflag:$0x0] =	sbarrier.arrive $0xFFFF  }
0x48: {  	p0 =	sne.s32 s0, $0x0;
	_ =	strace $0x90000047  }
0x49: {  	s0 =	sadd.s32 @!p0 $0x100000, s1;
	[bflag:$0x2] =	sbarrier.arrive $0xFFFF  }
0x4a: {  	[sflag:s0] =	ssyncadd.tile.s32 @!p0 $0x1;
	_ =	shalt  }
.Lfunc_end2:
_tile_overlayer_lowered:
.L_overlay_start_2:
0x4b: {  	(tag) =	ssettag $0x2  }
0x4c: {  	s0 =	rddreg [dreg:$0x0];
	s2 =	stileid.u32  }
0x4d: {  	s1 =	rddreg [dreg:$0x1];
	p0 =	sne.s32 s2, $0x0  }
0x4e: {  	s3 =	rddreg [dreg:$0x2];
	[bflag:$0x3] =	sbarrier.arrive $0xFFFF;
	s2 =	simm.s32 @!p0 $0x1C03  }
0x4f: {  	[timem:s3], [sflag:s2] =	dma.local @!p0 [hbm:s0], s1  }
0x50: {  	s0 =	simm.s32 @!p0 $0x3  }
0x51: {  	_ =	swait.ge @!p0 [sflag:s0], s1  }
0x52: {  	s1 =	ssub.s32 @!p0 $0x0, s1;
	[sflag:s0] =	ssyncset.done @!p0 $0x0  }
0x53: {  	[sflag:s0] =	ssyncadd.s32 @!p0 s1  }
0x54: {  	[bflag:$0x3] =	sbarrier.arrive $0xFFFF  }
0x55: {  	_ =	shalt  }

</sc_bundles>
